<compile_context>
chip_gen: v7x
topology: tpu7x:2x2x1
jax: 0.10.2.dev20260603
libtpu: 0.0.44.dev20260713+nightly
codegen_flags: <defaults>
</compile_context>

<pallas_src>
import jax
import jax.numpy as jnp
from jax import lax
from jax.experimental import pallas as pl
from jax.experimental.pallas import tpu as pltpu
from jax.experimental.pallas import tpu_sc as plsc
import functools

N = 100000
G = 20000
G_PAD = 20480
ROWS = 784
NP = ROWS * 128
NW = 16
RPW = ROWS // NW
ZPW = G_PAD // NW
EPS = 1e-10


def _trans_body(now_ref, it_ref, mi_ref, ii_ref, o_ref):
    t = jnp.maximum(now_ref[0, 0] - it_ref[...] * 10.0 - 1.0, 0.0)
    o_ref[...] = ii_ref[...] * mi_ref[...] * (t * t) * jnp.exp(-0.5 * t)


_trans_call = pl.pallas_call(
    _trans_body,
    out_shape=jax.ShapeDtypeStruct((NW, RPW, 128), jnp.float32),
    in_specs=[
        pl.BlockSpec(memory_space=pltpu.SMEM),
        pl.BlockSpec(),
        pl.BlockSpec(),
        pl.BlockSpec(),
    ],
)




def _sc_body(tr_hbm, cw_hbm, ids_hbm, out0, out1,
             idx2, tv, cv, gt, sv, zv, nt, nc, tt_sh, tc_sh, sem):
    cid = lax.axis_index("c")
    sid = lax.axis_index("s")
    out_refs = [out0, out1]

    sa = pltpu.async_copy(tr_hbm.at[sid], tv, sem)
    sb = pltpu.async_copy(cw_hbm.at[sid], cv, sem)
    sa.wait()
    sb.wait()

    def _zb(i, c):
        zv[pl.ds(i * 16, 16)] = jnp.zeros((16,), jnp.float32)
        return c
    lax.fori_loop(0, ZPW // 16, _zb, 0)

    def _za(j, c):
        for kk in range(8):
            sv[j, pl.ds(kk * 16, 16)] = jnp.zeros((16,), jnp.float32)
        return c
    lax.fori_loop(0, RPW, _za, 0)

    def _round(r, carry):
        za = pltpu.async_copy(zv, tt_sh.at[pl.ds(sid * ZPW, ZPW)], sem)
        zb = pltpu.async_copy(zv, tc_sh.at[pl.ds(sid * ZPW, ZPW)], sem)
        za.wait()
        zb.wait()
        plsc.subcore_barrier()

        v = 3 * cid + r
        pltpu.sync_copy(ids_hbm.at[v, sid], idx2)

        def _sf(j, c):
            pltpu.async_copy(tv.at[j], tt_sh.at[idx2.at[j]], sem, add=True)
            pltpu.async_copy(cv.at[j], tc_sh.at[idx2.at[j]], sem, add=True)
            return c
        lax.fori_loop(0, RPW, _sf, 0)

        def _sd(j, c):
            pltpu.make_async_copy(tv.at[j], tt_sh.at[idx2.at[j]], sem).wait()
            pltpu.make_async_copy(cv.at[j], tc_sh.at[idx2.at[j]], sem).wait()
            return c
        lax.fori_loop(0, RPW, _sd, 0)
        plsc.subcore_barrier()

        na = pltpu.async_copy(tt_sh.at[pl.ds(sid * ZPW, ZPW)], nt, sem)
        nb = pltpu.async_copy(tc_sh.at[pl.ds(sid * ZPW, ZPW)], nc, sem)
        na.wait()
        nb.wait()

        def _nb(i, c):
            o = i * 16
            nt[pl.ds(o, 16)] = (nt[pl.ds(o, 16)]
                                / jnp.maximum(nc[pl.ds(o, 16)], 1.0))
            return c
        lax.fori_loop(0, ZPW // 16, _nb, 0)
        pltpu.sync_copy(nt, tt_sh.at[pl.ds(sid * ZPW, ZPW)])
        plsc.subcore_barrier()

        def _gf(j, c):
            pltpu.async_copy(tt_sh.at[idx2.at[j]], gt.at[j], sem)
            return c
        lax.fori_loop(0, RPW, _gf, 0)

        def _gd(j, c):
            pltpu.make_async_copy(tt_sh.at[idx2.at[j]], gt.at[j], sem).wait()
            return c
        lax.fori_loop(0, RPW, _gd, 0)

        def _ab(j, c):
            for kk in range(8):
                o = kk * 16
                sv[j, pl.ds(o, 16)] = (sv[j, pl.ds(o, 16)]
                                       + gt[j, pl.ds(o, 16)])
            return c
        lax.fori_loop(0, RPW, _ab, 0)
        plsc.subcore_barrier()
        return carry

    lax.fori_loop(0, 3, _round, 0)

    for c in range(2):
        @pl.when(cid == c)
        def _(c=c):
            pltpu.sync_copy(sv, out_refs[c].at[sid])


_sc_call = functools.partial(
    pl.kernel,
    out_type=[jax.ShapeDtypeStruct((NW, RPW, 128), jnp.float32),
              jax.ShapeDtypeStruct((NW, RPW, 128), jnp.float32)],
    mesh=plsc.VectorSubcoreMesh(core_axis_name="c", subcore_axis_name="s"),
    scratch_types=[
        pltpu.VMEM((RPW, 128), jnp.int32),
        pltpu.VMEM((RPW, 128), jnp.float32),
        pltpu.VMEM((RPW, 128), jnp.float32),
        pltpu.VMEM((RPW, 128), jnp.float32),
        pltpu.VMEM((RPW, 128), jnp.float32),
        pltpu.VMEM((ZPW,), jnp.float32),
        pltpu.VMEM((ZPW,), jnp.float32),
        pltpu.VMEM((ZPW,), jnp.float32),
        pltpu.VMEM_SHARED((G_PAD,), jnp.float32),
        pltpu.VMEM_SHARED((G_PAD,), jnp.float32),
        pltpu.SemaphoreType.DMA,
    ],
)(_sc_body)


def _finish_body(tr, s0, s1, su, ii, u0, u1, o):
    trans = tr[...]
    isf = ii[...]
    susc = su[...]
    logp = -(susc * (s0[...] + s1[...]))
    p = jnp.exp(logp)
    a0 = jnp.log(p + EPS)
    a1 = jnp.log(1.0 - p + EPS)
    g0 = -jnp.log(-jnp.log(u0[...] + EPS) + EPS)
    g1 = -jnp.log(-jnp.log(u1[...] + EPS) + EPS)
    arg = (a1 - a0 + g1 - g0) * 10.0
    soft1 = 1.0 / (1.0 + jnp.exp(-arg))
    new_inf = soft1 * (1.0 - isf)
    o[0] = trans
    o[1] = p
    o[2] = new_inf
    o[3] = jnp.maximum(0.0, susc - new_inf)
    new_isinf = isf + new_inf
    o[4] = new_isinf
    o[5] = new_isinf * (1.0 / (1.0 + jnp.exp(-(trans - 1.0))))


_finish_call = pl.pallas_call(
    _finish_body,
    out_shape=jax.ShapeDtypeStruct((6, NW, RPW, 128), jnp.float32),
)


def _pad3d(x):
    return jnp.pad(x, (0, NP - N)).reshape(NW, RPW, 128)


def kernel(susceptibility, infection_time, max_infectiousness, is_infected,
           company_ids, school_ids, household_ids, university_ids,
           leisure_ids, care_home_ids, now):
    now_f = jnp.asarray(now, jnp.float32).reshape(1, 1)
    isf = _pad3d(is_infected.astype(jnp.float32))
    it3 = _pad3d(infection_time)
    mi3 = _pad3d(max_infectiousness)
    su3 = _pad3d(susceptibility)
    ids4 = jnp.stack(
        [jnp.pad(i, (0, NP - N)) for i in
         (company_ids, school_ids, household_ids,
          university_ids, leisure_ids, care_home_ids)]
    ).astype(jnp.int32).reshape(6, NW, RPW, 128)
    cw3 = jnp.where(jnp.arange(NP) < N, 1.0, 0.0).astype(
        jnp.float32).reshape(NW, RPW, 128)
    u = jax.random.uniform(jax.random.key(42), (N, 2), dtype=jnp.float32)
    u0 = _pad3d(u[:, 0])
    u1 = _pad3d(u[:, 1])

    trans3 = _trans_call(now_f, it3, mi3, isf)
    s0, s1 = _sc_call(trans3, cw3, ids4)
    out = _finish_call(trans3, s0, s1, su3, isf, u0, u1)
    return out.reshape(6, NP)[:, :N]

# --- scband reference (transcript-rebuilt; emitter-appended) ---
"""Pipeline reference for scband-torch-june-25829933318567 (READ-ONLY COPY).

The authoritative reference and input builder live on the scoring server;
editing this copy changes nothing except your own understanding.
"""

import jax, jax.numpy as jnp
import numpy as np

N = 100000
N_GROUPS = 20000
VENUES = ["company", "school", "household", "university", "leisure", "care_home"]
LOG_BETA = [0.0, 0.0, 0.0, 0.0, 0.0, 0.0]


def setup_inputs(seed: int = 0) -> dict:
    key = jax.random.key(seed)
    ks = jax.random.split(key, 16)
    inp = {}
    inp["susceptibility"] = jax.random.uniform(ks[0], (N,), dtype=jnp.float32)
    inp["infection_time"] = jax.random.uniform(ks[1], (N,), dtype=jnp.float32)
    inp["max_infectiousness"] = jax.random.uniform(ks[2], (N,), dtype=jnp.float32)
    inp["is_infected"] = jax.random.randint(ks[3], (N,), 0, 2).astype(jnp.int32)
    for i, v in enumerate(VENUES):
        inp[v + "_ids"] = jax.random.randint(ks[4 + i], (N,), 0, N_GROUPS)
    inp["now"] = 10
    return inp


def reference(susceptibility, infection_time, max_infectiousness, is_infected,
              company_ids, school_ids, household_ids, university_ids,
              leisure_ids, care_home_ids, now):
    is_inf_f = is_infected.astype(jnp.float32)
    # TransmissionUpdater: gamma-like infectiousness profile of time since infection
    t = jnp.maximum(jnp.asarray(now, dtype=jnp.float32) - infection_time * 10.0 - 1.0, 0.0)
    transmission = is_inf_f * max_infectiousness * (t ** 2) * jnp.exp(-0.5 * t)
    # InfectionPassing: per-venue scatter-add of transmission, gather back per agent
    venue_ids = [company_ids, school_ids, household_ids, university_ids,
                 leisure_ids, care_home_ids]
    log_not_inf = jnp.zeros_like(susceptibility)
    for ids, log_beta in zip(venue_ids, LOG_BETA):
        beta = jnp.exp(jnp.asarray(log_beta, dtype=jnp.float32))
        group_trans = jax.ops.segment_sum(transmission, ids, num_segments=N_GROUPS)
        group_count = jax.ops.segment_sum(jnp.ones_like(transmission), ids, num_segments=N_GROUPS)
        per_agent = beta * group_trans[ids] / jnp.maximum(group_count[ids], 1.0)
        log_not_inf = log_not_inf - susceptibility * per_agent
    not_infected_probs = jnp.exp(log_not_inf)
    # IsInfectedSampler: Gumbel-softmax reparameterized Bernoulli sample
    eps = 1e-10
    logits = jnp.stack([jnp.log(not_infected_probs + eps),
                        jnp.log(1.0 - not_infected_probs + eps)], axis=-1)
    u = jax.random.uniform(jax.random.key(42), logits.shape, dtype=jnp.float32)
    g = -jnp.log(-jnp.log(u + eps) + eps)
    soft = jax.nn.softmax((logits + g) / 0.1, axis=-1)
    new_infected = soft[:, 1] * (1.0 - is_inf_f)
    # state updates
    new_susc = jnp.maximum(0.0, susceptibility - new_infected)
    new_is_inf = is_inf_f + new_infected
    # SymptomsUpdater (simplified score)
    symptom_score = new_is_inf * jax.nn.sigmoid(transmission - 1.0)
    return jnp.stack([transmission, not_infected_probs, new_infected,
                      new_susc, new_is_inf, symptom_score], axis=0)

if __name__ == "__main__":
    import jax
    _d = setup_inputs()
    print(jax.jit(kernel)(*tuple(_d.values())))

</pallas_src>

<mosaic_0001>
#map = affine_map<(d0, d1) -> (0, 0, 0)>
#map1 = affine_map<(d0, d1) -> (0, 0, 0, 0)>
module attributes {stable_mosaic.version = 14 : i64} {
  func.func @_sc_body(%arg0: i32, %arg1: i32, %arg2: memref<16x49x128xf32, #tpu.memory_space<hbm>>, %arg3: memref<16x49x128xf32, #tpu.memory_space<hbm>>, %arg4: memref<6x16x49x128xi32, #tpu.memory_space<hbm>>, %arg5: memref<16x49x128xf32, #tpu.memory_space<hbm>>, %arg6: memref<16x49x128xf32, #tpu.memory_space<hbm>>, %arg7: memref<49x128xi32, #tpu.memory_space<vmem>>, %arg8: memref<49x128xf32, #tpu.memory_space<vmem>>, %arg9: memref<49x128xf32, #tpu.memory_space<vmem>>, %arg10: memref<49x128xf32, #tpu.memory_space<vmem>>, %arg11: memref<49x128xf32, #tpu.memory_space<vmem>>, %arg12: memref<1280xf32, #tpu.memory_space<vmem>>, %arg13: memref<1280xf32, #tpu.memory_space<vmem>>, %arg14: memref<1280xf32, #tpu.memory_space<vmem>>, %arg15: memref<20480xf32, #tpu.memory_space<vmem_shared>>, %arg16: memref<20480xf32, #tpu.memory_space<vmem_shared>>, %arg17: memref<!tpu.dma_semaphore, #tpu.memory_space<semaphore_mem>>) attributes {dimension_semantics = [#tpu.dimension_semantics<core_parallel>, #tpu.dimension_semantics<subcore_parallel>], iteration_bounds = array<i64: 2, 16>, scalar_prefetch = 0 : i64, scratch_operands = 11 : i64, tpu.core_type = #tpu.core_type<sc_vector_subcore>, window_params = [{transform_indices = #map}, {transform_indices = #map}, {transform_indices = #map1}, {transform_indices = #map}, {transform_indices = #map}]} {
    %dma_start3A = arith.constant 0 : i32
    %dma_start3A_0 = arith.constant 0 : i32
    %dma_start3A_1 = tpu.memref_slice %arg2[%arg1, %dma_start3A, %dma_start3A_0] : memref<16x49x128xf32, #tpu.memory_space<hbm>> -> memref<1x49x128xf32, #tpu.memory_space<hbm>>
    %dma_start3A_2 = tpu.memref_squeeze %dma_start3A_1 : memref<1x49x128xf32, #tpu.memory_space<hbm>> -> memref<49x128xf32, #tpu.memory_space<hbm>>
    %dma_start3A_3 = arith.constant 0 : i32
    %dma_start3A_4 = arith.constant 0 : i32
    %dma_start3A_5 = tpu.memref_slice %arg2[%arg1, %dma_start3A_3, %dma_start3A_4] : memref<16x49x128xf32, #tpu.memory_space<hbm>> -> memref<1x49x128xf32, #tpu.memory_space<hbm>>
    %dma_start3A_6 = tpu.memref_squeeze %dma_start3A_5 : memref<1x49x128xf32, #tpu.memory_space<hbm>> -> memref<49x128xf32, #tpu.memory_space<hbm>>
    tpu.enqueue_dma source(%dma_start3A_6 : memref<49x128xf32, #tpu.memory_space<hbm>>) target(%arg8 : memref<49x128xf32, #tpu.memory_space<vmem>>) target_semaphore(%arg17 : memref<!tpu.dma_semaphore, #tpu.memory_space<semaphore_mem>>)
    %dma_start3A_7 = arith.constant 0 : i32
    %dma_start3A_8 = arith.constant 0 : i32
    %dma_start3A_9 = tpu.memref_slice %arg3[%arg1, %dma_start3A_7, %dma_start3A_8] : memref<16x49x128xf32, #tpu.memory_space<hbm>> -> memref<1x49x128xf32, #tpu.memory_space<hbm>>
    %dma_start3A_10 = tpu.memref_squeeze %dma_start3A_9 : memref<1x49x128xf32, #tpu.memory_space<hbm>> -> memref<49x128xf32, #tpu.memory_space<hbm>>
    %dma_start3A_11 = arith.constant 0 : i32
    %dma_start3A_12 = arith.constant 0 : i32
    %dma_start3A_13 = tpu.memref_slice %arg3[%arg1, %dma_start3A_11, %dma_start3A_12] : memref<16x49x128xf32, #tpu.memory_space<hbm>> -> memref<1x49x128xf32, #tpu.memory_space<hbm>>
    %dma_start3A_14 = tpu.memref_squeeze %dma_start3A_13 : memref<1x49x128xf32, #tpu.memory_space<hbm>> -> memref<49x128xf32, #tpu.memory_space<hbm>>
    tpu.enqueue_dma source(%dma_start3A_14 : memref<49x128xf32, #tpu.memory_space<hbm>>) target(%arg9 : memref<49x128xf32, #tpu.memory_space<vmem>>) target_semaphore(%arg17 : memref<!tpu.dma_semaphore, #tpu.memory_space<semaphore_mem>>)
    %dma_wait3A = arith.constant 0 : i32
    %dma_wait3A_15 = arith.constant 0 : i32
    %dma_wait3A_16 = tpu.memref_slice %arg2[%arg1, %dma_wait3A, %dma_wait3A_15] : memref<16x49x128xf32, #tpu.memory_space<hbm>> -> memref<1x49x128xf32, #tpu.memory_space<hbm>>
    %dma_wait3A_17 = tpu.memref_squeeze %dma_wait3A_16 : memref<1x49x128xf32, #tpu.memory_space<hbm>> -> memref<49x128xf32, #tpu.memory_space<hbm>>
    %dma_wait3A_18 = arith.constant 0 : i32
    %dma_wait3A_19 = arith.constant 0 : i32
    %dma_wait3A_20 = tpu.memref_slice %arg2[%arg1, %dma_wait3A_18, %dma_wait3A_19] : memref<16x49x128xf32, #tpu.memory_space<hbm>> -> memref<1x49x128xf32, #tpu.memory_space<hbm>>
    %dma_wait3A_21 = tpu.memref_squeeze %dma_wait3A_20 : memref<1x49x128xf32, #tpu.memory_space<hbm>> -> memref<49x128xf32, #tpu.memory_space<hbm>>
    tpu.wait_dma2 semaphore(%arg17 : memref<!tpu.dma_semaphore, #tpu.memory_space<semaphore_mem>>) src(%dma_wait3A_21 : memref<49x128xf32, #tpu.memory_space<hbm>>) dst(%arg8 : memref<49x128xf32, #tpu.memory_space<vmem>>)
    %dma_wait3A_22 = arith.constant 0 : i32
    %dma_wait3A_23 = arith.constant 0 : i32
    %dma_wait3A_24 = tpu.memref_slice %arg3[%arg1, %dma_wait3A_22, %dma_wait3A_23] : memref<16x49x128xf32, #tpu.memory_space<hbm>> -> memref<1x49x128xf32, #tpu.memory_space<hbm>>
    %dma_wait3A_25 = tpu.memref_squeeze %dma_wait3A_24 : memref<1x49x128xf32, #tpu.memory_space<hbm>> -> memref<49x128xf32, #tpu.memory_space<hbm>>
    %dma_wait3A_26 = arith.constant 0 : i32
    %dma_wait3A_27 = arith.constant 0 : i32
    %dma_wait3A_28 = tpu.memref_slice %arg3[%arg1, %dma_wait3A_26, %dma_wait3A_27] : memref<16x49x128xf32, #tpu.memory_space<hbm>> -> memref<1x49x128xf32, #tpu.memory_space<hbm>>
    %dma_wait3A_29 = tpu.memref_squeeze %dma_wait3A_28 : memref<1x49x128xf32, #tpu.memory_space<hbm>> -> memref<49x128xf32, #tpu.memory_space<hbm>>
    tpu.wait_dma2 semaphore(%arg17 : memref<!tpu.dma_semaphore, #tpu.memory_space<semaphore_mem>>) src(%dma_wait3A_29 : memref<49x128xf32, #tpu.memory_space<hbm>>) dst(%arg9 : memref<49x128xf32, #tpu.memory_space<vmem>>)
    %scan3A = arith.constant 0 : i32
    %scan3A_30 = arith.constant 0 : i32
    %scan3A_31 = arith.constant 80 : i32
    %scan3A_32 = arith.addi %scan3A_30, %scan3A_31 : i32
    %scan3A_33 = arith.constant 1 : i32
    scf.for %scan3A_54 = %scan3A_30 to %scan3A_32 step %scan3A_33  : i32 {
      %broadcast_in_dim3A = arith.constant 0.000000e+00 : f32
      %broadcast_in_dim3A_55 = vector.broadcast %broadcast_in_dim3A : f32 to vector<16xf32>
      %mul3A = arith.constant 16 : i32
      %mul3A_56 = arith.muli %scan3A_54, %mul3A : i32
      %swap3A = arith.index_cast %mul3A_56 : i32 to index
      %swap3A_57 = tpu.vector_load %arg12[%swap3A] {strides = array<i32>} : memref<1280xf32, #tpu.memory_space<vmem>>, vector<16xf32>,
      %swap3A_58 = vector.shape_cast %swap3A_57 : vector<16xf32> to vector<16xf32>
      %swap3A_59 = vector.shape_cast %broadcast_in_dim3A_55 : vector<16xf32> to vector<16xf32>
      tpu.vector_store %arg12[%swap3A], %swap3A_59 {strides = array<i32>} : memref<1280xf32, #tpu.memory_space<vmem>>, vector<16xf32>,
    }
    %scan3A_34 = arith.constant 80 : i32
    %scan3A_35 = arith.constant 0 : i32
    %scan3A_36 = arith.constant 0 : i32
    %scan3A_37 = arith.constant 49 : i32
    %scan3A_38 = arith.addi %scan3A_36, %scan3A_37 : i32
    %scan3A_39 = arith.constant 1 : i32
    scf.for %scan3A_54 = %scan3A_36 to %scan3A_38 step %scan3A_39  : i32 {
      %broadcast_in_dim3A = arith.constant 0.000000e+00 : f32
      %broadcast_in_dim3A_55 = vector.broadcast %broadcast_in_dim3A : f32 to vector<16xf32>
      %swap3A = arith.index_cast %scan3A_54 : i32 to index
      %swap3A_56 = arith.constant 0 : index
      %swap3A_57 = tpu.vector_load %arg11[%swap3A, %swap3A_56] {strides = array<i32>} : memref<49x128xf32, #tpu.memory_space<vmem>>, vector<1x16xf32>,
      %swap3A_58 = vector.shape_cast %swap3A_57 : vector<1x16xf32> to vector<16xf32>
      %swap3A_59 = vector.shape_cast %broadcast_in_dim3A_55 : vector<16xf32> to vector<1x16xf32>
      tpu.vector_store %arg11[%swap3A, %swap3A_56], %swap3A_59 {strides = array<i32>} : memref<49x128xf32, #tpu.memory_space<vmem>>, vector<1x16xf32>,
      %broadcast_in_dim3A_60 = arith.constant 0.000000e+00 : f32
      %broadcast_in_dim3A_61 = vector.broadcast %broadcast_in_dim3A_60 : f32 to vector<16xf32>
      %swap3A_62 = arith.index_cast %scan3A_54 : i32 to index
      %swap3A_63 = arith.constant 16 : index
      %swap3A_64 = tpu.vector_load %arg11[%swap3A_62, %swap3A_63] {strides = array<i32>} : memref<49x128xf32, #tpu.memory_space<vmem>>, vector<1x16xf32>,
      %swap3A_65 = vector.shape_cast %swap3A_64 : vector<1x16xf32> to vector<16xf32>
      %swap3A_66 = vector.shape_cast %broadcast_in_dim3A_61 : vector<16xf32> to vector<1x16xf32>
      tpu.vector_store %arg11[%swap3A_62, %swap3A_63], %swap3A_66 {strides = array<i32>} : memref<49x128xf32, #tpu.memory_space<vmem>>, vector<1x16xf32>,
      %broadcast_in_dim3A_67 = arith.constant 0.000000e+00 : f32
      %broadcast_in_dim3A_68 = vector.broadcast %broadcast_in_dim3A_67 : f32 to vector<16xf32>
      %swap3A_69 = arith.index_cast %scan3A_54 : i32 to index
      %swap3A_70 = arith.constant 32 : index
      %swap3A_71 = tpu.vector_load %arg11[%swap3A_69, %swap3A_70] {strides = array<i32>} : memref<49x128xf32, #tpu.memory_space<vmem>>, vector<1x16xf32>,
      %swap3A_72 = vector.shape_cast %swap3A_71 : vector<1x16xf32> to vector<16xf32>
      %swap3A_73 = vector.shape_cast %broadcast_in_dim3A_68 : vector<16xf32> to vector<1x16xf32>
      tpu.vector_store %arg11[%swap3A_69, %swap3A_70], %swap3A_73 {strides = array<i32>} : memref<49x128xf32, #tpu.memory_space<vmem>>, vector<1x16xf32>,
      %broadcast_in_dim3A_74 = arith.constant 0.000000e+00 : f32
      %broadcast_in_dim3A_75 = vector.broadcast %broadcast_in_dim3A_74 : f32 to vector<16xf32>
      %swap3A_76 = arith.index_cast %scan3A_54 : i32 to index
      %swap3A_77 = arith.constant 48 : index
      %swap3A_78 = tpu.vector_load %arg11[%swap3A_76, %swap3A_77] {strides = array<i32>} : memref<49x128xf32, #tpu.memory_space<vmem>>, vector<1x16xf32>,
      %swap3A_79 = vector.shape_cast %swap3A_78 : vector<1x16xf32> to vector<16xf32>
      %swap3A_80 = vector.shape_cast %broadcast_in_dim3A_75 : vector<16xf32> to vector<1x16xf32>
      tpu.vector_store %arg11[%swap3A_76, %swap3A_77], %swap3A_80 {strides = array<i32>} : memref<49x128xf32, #tpu.memory_space<vmem>>, vector<1x16xf32>,
      %broadcast_in_dim3A_81 = arith.constant 0.000000e+00 : f32
      %broadcast_in_dim3A_82 = vector.broadcast %broadcast_in_dim3A_81 : f32 to vector<16xf32>
      %swap3A_83 = arith.index_cast %scan3A_54 : i32 to index
      %swap3A_84 = arith.constant 64 : index
      %swap3A_85 = tpu.vector_load %arg11[%swap3A_83, %swap3A_84] {strides = array<i32>} : memref<49x128xf32, #tpu.memory_space<vmem>>, vector<1x16xf32>,
      %swap3A_86 = vector.shape_cast %swap3A_85 : vector<1x16xf32> to vector<16xf32>
      %swap3A_87 = vector.shape_cast %broadcast_in_dim3A_82 : vector<16xf32> to vector<1x16xf32>
      tpu.vector_store %arg11[%swap3A_83, %swap3A_84], %swap3A_87 {strides = array<i32>} : memref<49x128xf32, #tpu.memory_space<vmem>>, vector<1x16xf32>,
      %broadcast_in_dim3A_88 = arith.constant 0.000000e+00 : f32
      %broadcast_in_dim3A_89 = vector.broadcast %broadcast_in_dim3A_88 : f32 to vector<16xf32>
      %swap3A_90 = arith.index_cast %scan3A_54 : i32 to index
      %swap3A_91 = arith.constant 80 : index
      %swap3A_92 = tpu.vector_load %arg11[%swap3A_90, %swap3A_91] {strides = array<i32>} : memref<49x128xf32, #tpu.memory_space<vmem>>, vector<1x16xf32>,
      %swap3A_93 = vector.shape_cast %swap3A_92 : vector<1x16xf32> to vector<16xf32>
      %swap3A_94 = vector.shape_cast %broadcast_in_dim3A_89 : vector<16xf32> to vector<1x16xf32>
      tpu.vector_store %arg11[%swap3A_90, %swap3A_91], %swap3A_94 {strides = array<i32>} : memref<49x128xf32, #tpu.memory_space<vmem>>, vector<1x16xf32>,
      %broadcast_in_dim3A_95 = arith.constant 0.000000e+00 : f32
      %broadcast_in_dim3A_96 = vector.broadcast %broadcast_in_dim3A_95 : f32 to vector<16xf32>
      %swap3A_97 = arith.index_cast %scan3A_54 : i32 to index
      %swap3A_98 = arith.constant 96 : index
      %swap3A_99 = tpu.vector_load %arg11[%swap3A_97, %swap3A_98] {strides = array<i32>} : memref<49x128xf32, #tpu.memory_space<vmem>>, vector<1x16xf32>,
      %swap3A_100 = vector.shape_cast %swap3A_99 : vector<1x16xf32> to vector<16xf32>
      %swap3A_101 = vector.shape_cast %broadcast_in_dim3A_96 : vector<16xf32> to vector<1x16xf32>
      tpu.vector_store %arg11[%swap3A_97, %swap3A_98], %swap3A_101 {strides = array<i32>} : memref<49x128xf32, #tpu.memory_space<vmem>>, vector<1x16xf32>,
      %broadcast_in_dim3A_102 = arith.constant 0.000000e+00 : f32
      %broadcast_in_dim3A_103 = vector.broadcast %broadcast_in_dim3A_102 : f32 to vector<16xf32>
      %swap3A_104 = arith.index_cast %scan3A_54 : i32 to index
      %swap3A_105 = arith.constant 112 : index
      %swap3A_106 = tpu.vector_load %arg11[%swap3A_104, %swap3A_105] {strides = array<i32>} : memref<49x128xf32, #tpu.memory_space<vmem>>, vector<1x16xf32>,
      %swap3A_107 = vector.shape_cast %swap3A_106 : vector<1x16xf32> to vector<16xf32>
      %swap3A_108 = vector.shape_cast %broadcast_in_dim3A_103 : vector<16xf32> to vector<1x16xf32>
      tpu.vector_store %arg11[%swap3A_104, %swap3A_105], %swap3A_108 {strides = array<i32>} : memref<49x128xf32, #tpu.memory_space<vmem>>, vector<1x16xf32>,
    }
    %scan3A_40 = arith.constant 49 : i32
    %scan3A_41 = arith.constant 0 : i32
    %scan3A_42 = arith.constant 0 : i32
    %scan3A_43 = arith.constant 3 : i32
    %scan3A_44 = arith.addi %scan3A_42, %scan3A_43 : i32
    %scan3A_45 = arith.constant 1 : i32
    scf.for %scan3A_54 = %scan3A_42 to %scan3A_44 step %scan3A_45  : i32 {
      %mul3A = arith.constant 1280 : i32
      %mul3A_55 = arith.muli %arg1, %mul3A : i32
      %dma_start3A_56 = tpu.memref_slice %arg15[%mul3A_55] : memref<20480xf32, #tpu.memory_space<vmem_shared>> -> memref<1280xf32, #tpu.memory_space<vmem_shared>>
      %dma_start3A_57 = tpu.memref_slice %arg15[%mul3A_55] : memref<20480xf32, #tpu.memory_space<vmem_shared>> -> memref<1280xf32, #tpu.memory_space<vmem_shared>>
      tpu.enqueue_dma source(%arg12 : memref<1280xf32, #tpu.memory_space<vmem>>) target(%dma_start3A_57 : memref<1280xf32, #tpu.memory_space<vmem_shared>>) target_semaphore(%arg17 : memref<!tpu.dma_semaphore, #tpu.memory_space<semaphore_mem>>)
      %mul3A_58 = arith.constant 1280 : i32
      %mul3A_59 = arith.muli %arg1, %mul3A_58 : i32
      %dma_start3A_60 = tpu.memref_slice %arg16[%mul3A_59] : memref<20480xf32, #tpu.memory_space<vmem_shared>> -> memref<1280xf32, #tpu.memory_space<vmem_shared>>
      %dma_start3A_61 = tpu.memref_slice %arg16[%mul3A_59] : memref<20480xf32, #tpu.memory_space<vmem_shared>> -> memref<1280xf32, #tpu.memory_space<vmem_shared>>
      tpu.enqueue_dma source(%arg12 : memref<1280xf32, #tpu.memory_space<vmem>>) target(%dma_start3A_61 : memref<1280xf32, #tpu.memory_space<vmem_shared>>) target_semaphore(%arg17 : memref<!tpu.dma_semaphore, #tpu.memory_space<semaphore_mem>>)
      %dma_wait3A_62 = tpu.memref_slice %arg15[%mul3A_55] : memref<20480xf32, #tpu.memory_space<vmem_shared>> -> memref<1280xf32, #tpu.memory_space<vmem_shared>>
      %dma_wait3A_63 = tpu.memref_slice %arg15[%mul3A_55] : memref<20480xf32, #tpu.memory_space<vmem_shared>> -> memref<1280xf32, #tpu.memory_space<vmem_shared>>
      tpu.wait_dma2 semaphore(%arg17 : memref<!tpu.dma_semaphore, #tpu.memory_space<semaphore_mem>>) src(%arg12 : memref<1280xf32, #tpu.memory_space<vmem>>) dst(%dma_wait3A_63 : memref<1280xf32, #tpu.memory_space<vmem_shared>>)
      %dma_wait3A_64 = tpu.memref_slice %arg16[%mul3A_59] : memref<20480xf32, #tpu.memory_space<vmem_shared>> -> memref<1280xf32, #tpu.memory_space<vmem_shared>>
      %dma_wait3A_65 = tpu.memref_slice %arg16[%mul3A_59] : memref<20480xf32, #tpu.memory_space<vmem_shared>> -> memref<1280xf32, #tpu.memory_space<vmem_shared>>
      tpu.wait_dma2 semaphore(%arg17 : memref<!tpu.dma_semaphore, #tpu.memory_space<semaphore_mem>>) src(%arg12 : memref<1280xf32, #tpu.memory_space<vmem>>) dst(%dma_wait3A_65 : memref<1280xf32, #tpu.memory_space<vmem_shared>>)
      %barrier3A = arith.constant 0 : index
      tpu.barrier barrier_id(%barrier3A)
      %mul3A_66 = arith.constant 3 : i32
      %mul3A_67 = arith.muli %mul3A_66, %arg0 : i32
      %add3A = arith.addi %mul3A_67, %scan3A_54 : i32
      "tpu.region"() ({
        %run_scoped3A = tpu.sem_alloc : memref<!tpu.dma_semaphore, #tpu.memory_space<semaphore_mem>>
        %dma_start3A_121 = arith.constant 0 : i32
        %dma_start3A_122 = arith.constant 0 : i32
        %dma_start3A_123 = tpu.memref_slice %arg4[%add3A, %arg1, %dma_start3A_121, %dma_start3A_122] : memref<6x16x49x128xi32, #tpu.memory_space<hbm>> -> memref<1x1x49x128xi32, #tpu.memory_space<hbm>>
        %dma_start3A_124 = tpu.memref_squeeze %dma_start3A_123 : memref<1x1x49x128xi32, #tpu.memory_space<hbm>> -> memref<49x128xi32, #tpu.memory_space<hbm>>
        %dma_start3A_125 = arith.constant 0 : i32
        %dma_start3A_126 = arith.constant 0 : i32
        %dma_start3A_127 = tpu.memref_slice %arg4[%add3A, %arg1, %dma_start3A_125, %dma_start3A_126] : memref<6x16x49x128xi32, #tpu.memory_space<hbm>> -> memref<1x1x49x128xi32, #tpu.memory_space<hbm>>
        %dma_start3A_128 = tpu.memref_squeeze %dma_start3A_127 : memref<1x1x49x128xi32, #tpu.memory_space<hbm>> -> memref<49x128xi32, #tpu.memory_space<hbm>>
        tpu.enqueue_dma source(%dma_start3A_128 : memref<49x128xi32, #tpu.memory_space<hbm>>) target(%arg7 : memref<49x128xi32, #tpu.memory_space<vmem>>) target_semaphore(%run_scoped3A : memref<!tpu.dma_semaphore, #tpu.memory_space<semaphore_mem>>)
        %dma_wait3A_129 = arith.constant 0 : i32
        %dma_wait3A_130 = arith.constant 0 : i32
        %dma_wait3A_131 = tpu.memref_slice %arg4[%add3A, %arg1, %dma_wait3A_129, %dma_wait3A_130] : memref<6x16x49x128xi32, #tpu.memory_space<hbm>> -> memref<1x1x49x128xi32, #tpu.memory_space<hbm>>
        %dma_wait3A_132 = tpu.memref_squeeze %dma_wait3A_131 : memref<1x1x49x128xi32, #tpu.memory_space<hbm>> -> memref<49x128xi32, #tpu.memory_space<hbm>>
        %dma_wait3A_133 = arith.constant 0 : i32
        %dma_wait3A_134 = arith.constant 0 : i32
        %dma_wait3A_135 = tpu.memref_slice %arg4[%add3A, %arg1, %dma_wait3A_133, %dma_wait3A_134] : memref<6x16x49x128xi32, #tpu.memory_space<hbm>> -> memref<1x1x49x128xi32, #tpu.memory_space<hbm>>
        %dma_wait3A_136 = tpu.memref_squeeze %dma_wait3A_135 : memref<1x1x49x128xi32, #tpu.memory_space<hbm>> -> memref<49x128xi32, #tpu.memory_space<hbm>>
        tpu.wait_dma2 semaphore(%run_scoped3A : memref<!tpu.dma_semaphore, #tpu.memory_space<semaphore_mem>>) src(%dma_wait3A_136 : memref<49x128xi32, #tpu.memory_space<hbm>>) dst(%arg7 : memref<49x128xi32, #tpu.memory_space<vmem>>)
        tpu.yield
      }) : () -> ()
      %scan3A_68 = arith.constant 0 : i32
      %scan3A_69 = arith.constant 0 : i32
      %scan3A_70 = arith.constant 49 : i32
      %scan3A_71 = arith.addi %scan3A_69, %scan3A_70 : i32
      %scan3A_72 = arith.constant 1 : i32
      scf.for %scan3A_121 = %scan3A_69 to %scan3A_71 step %scan3A_72  : i32 {
        %dma_start3A_122 = arith.constant 0 : i32
        %dma_start3A_123 = tpu.memref_slice %arg8[%scan3A_121, %dma_start3A_122] : memref<49x128xf32, #tpu.memory_space<vmem>> -> memref<1x128xf32, #tpu.memory_space<vmem>>
        %dma_start3A_124 = tpu.memref_squeeze %dma_start3A_123 : memref<1x128xf32, #tpu.memory_space<vmem>> -> memref<128xf32, #tpu.memory_space<vmem>>
        %dma_start3A_125 = arith.constant 0 : i32
        %dma_start3A_126 = tpu.memref_slice %arg7[%scan3A_121, %dma_start3A_125] : memref<49x128xi32, #tpu.memory_space<vmem>> -> memref<1x128xi32, #tpu.memory_space<vmem>>
        %dma_start3A_127 = tpu.memref_squeeze %dma_start3A_126 : memref<1x128xi32, #tpu.memory_space<vmem>> -> memref<128xi32, #tpu.memory_space<vmem>>
        %dma_start3A_128 = arith.constant 0 : i32
        %dma_start3A_129 = tpu.memref_slice %arg15[%dma_start3A_128] : memref<20480xf32, #tpu.memory_space<vmem_shared>> -> memref<20480xf32, #tpu.memory_space<vmem_shared>>
        tpu.enqueue_indirect_dma source(%dma_start3A_124 : memref<128xf32, #tpu.memory_space<vmem>>) target(%dma_start3A_129 : memref<20480xf32, #tpu.memory_space<vmem_shared>>) offsets(%dma_start3A_127 : memref<128xi32, #tpu.memory_space<vmem>>) semaphore(%arg17 : memref<!tpu.dma_semaphore, #tpu.memory_space<semaphore_mem>>) {add = true}
        %dma_start3A_130 = arith.constant 0 : i32
        %dma_start3A_131 = tpu.memref_slice %arg9[%scan3A_121, %dma_start3A_130] : memref<49x128xf32, #tpu.memory_space<vmem>> -> memref<1x128xf32, #tpu.memory_space<vmem>>
        %dma_start3A_132 = tpu.memref_squeeze %dma_start3A_131 : memref<1x128xf32, #tpu.memory_space<vmem>> -> memref<128xf32, #tpu.memory_space<vmem>>
        %dma_start3A_133 = arith.constant 0 : i32
        %dma_start3A_134 = tpu.memref_slice %arg7[%scan3A_121, %dma_start3A_133] : memref<49x128xi32, #tpu.memory_space<vmem>> -> memref<1x128xi32, #tpu.memory_space<vmem>>
        %dma_start3A_135 = tpu.memref_squeeze %dma_start3A_134 : memref<1x128xi32, #tpu.memory_space<vmem>> -> memref<128xi32, #tpu.memory_space<vmem>>
        %dma_start3A_136 = arith.constant 0 : i32
        %dma_start3A_137 = tpu.memref_slice %arg16[%dma_start3A_136] : memref<20480xf32, #tpu.memory_space<vmem_shared>> -> memref<20480xf32, #tpu.memory_space<vmem_shared>>
        tpu.enqueue_indirect_dma source(%dma_start3A_132 : memref<128xf32, #tpu.memory_space<vmem>>) target(%dma_start3A_137 : memref<20480xf32, #tpu.memory_space<vmem_shared>>) offsets(%dma_start3A_135 : memref<128xi32, #tpu.memory_space<vmem>>) semaphore(%arg17 : memref<!tpu.dma_semaphore, #tpu.memory_space<semaphore_mem>>) {add = true}
      }
      %scan3A_73 = arith.constant 49 : i32
      %scan3A_74 = arith.constant 0 : i32
      %scan3A_75 = arith.constant 0 : i32
      %scan3A_76 = arith.constant 49 : i32
      %scan3A_77 = arith.addi %scan3A_75, %scan3A_76 : i32
      %scan3A_78 = arith.constant 1 : i32
      scf.for %scan3A_121 = %scan3A_75 to %scan3A_77 step %scan3A_78  : i32 {
        %dma_wait3A_122 = arith.constant 0 : i32
        %dma_wait3A_123 = tpu.memref_slice %arg8[%scan3A_121, %dma_wait3A_122] : memref<49x128xf32, #tpu.memory_space<vmem>> -> memref<1x128xf32, #tpu.memory_space<vmem>>
        %dma_wait3A_124 = tpu.memref_squeeze %dma_wait3A_123 : memref<1x128xf32, #tpu.memory_space<vmem>> -> memref<128xf32, #tpu.memory_space<vmem>>
        %dma_wait3A_125 = arith.constant 0 : i32
        %dma_wait3A_126 = tpu.memref_slice %arg7[%scan3A_121, %dma_wait3A_125] : memref<49x128xi32, #tpu.memory_space<vmem>> -> memref<1x128xi32, #tpu.memory_space<vmem>>
        %dma_wait3A_127 = tpu.memref_squeeze %dma_wait3A_126 : memref<1x128xi32, #tpu.memory_space<vmem>> -> memref<128xi32, #tpu.memory_space<vmem>>
        %dma_wait3A_128 = arith.constant 0 : i32
        %dma_wait3A_129 = tpu.memref_slice %arg15[%dma_wait3A_128] : memref<20480xf32, #tpu.memory_space<vmem_shared>> -> memref<20480xf32, #tpu.memory_space<vmem_shared>>
        tpu.wait_indirect_dma semaphore(%arg17 : memref<!tpu.dma_semaphore, #tpu.memory_space<semaphore_mem>>) src(%dma_wait3A_124 : memref<128xf32, #tpu.memory_space<vmem>>) dst(%dma_wait3A_129 : memref<20480xf32, #tpu.memory_space<vmem_shared>>)
        %dma_wait3A_130 = arith.constant 0 : i32
        %dma_wait3A_131 = tpu.memref_slice %arg9[%scan3A_121, %dma_wait3A_130] : memref<49x128xf32, #tpu.memory_space<vmem>> -> memref<1x128xf32, #tpu.memory_space<vmem>>
        %dma_wait3A_132 = tpu.memref_squeeze %dma_wait3A_131 : memref<1x128xf32, #tpu.memory_space<vmem>> -> memref<128xf32, #tpu.memory_space<vmem>>
        %dma_wait3A_133 = arith.constant 0 : i32
        %dma_wait3A_134 = tpu.memref_slice %arg7[%scan3A_121, %dma_wait3A_133] : memref<49x128xi32, #tpu.memory_space<vmem>> -> memref<1x128xi32, #tpu.memory_space<vmem>>
        %dma_wait3A_135 = tpu.memref_squeeze %dma_wait3A_134 : memref<1x128xi32, #tpu.memory_space<vmem>> -> memref<128xi32, #tpu.memory_space<vmem>>
        %dma_wait3A_136 = arith.constant 0 : i32
        %dma_wait3A_137 = tpu.memref_slice %arg16[%dma_wait3A_136] : memref<20480xf32, #tpu.memory_space<vmem_shared>> -> memref<20480xf32, #tpu.memory_space<vmem_shared>>
        tpu.wait_indirect_dma semaphore(%arg17 : memref<!tpu.dma_semaphore, #tpu.memory_space<semaphore_mem>>) src(%dma_wait3A_132 : memref<128xf32, #tpu.memory_space<vmem>>) dst(%dma_wait3A_137 : memref<20480xf32, #tpu.memory_space<vmem_shared>>)
      }
      %scan3A_79 = arith.constant 49 : i32
      %barrier3A_80 = arith.constant 0 : index
      tpu.barrier barrier_id(%barrier3A_80)
      %mul3A_81 = arith.constant 1280 : i32
      %mul3A_82 = arith.muli %arg1, %mul3A_81 : i32
      %dma_start3A_83 = tpu.memref_slice %arg15[%mul3A_82] : memref<20480xf32, #tpu.memory_space<vmem_shared>> -> memref<1280xf32, #tpu.memory_space<vmem_shared>>
      %dma_start3A_84 = tpu.memref_slice %arg15[%mul3A_82] : memref<20480xf32, #tpu.memory_space<vmem_shared>> -> memref<1280xf32, #tpu.memory_space<vmem_shared>>
      tpu.enqueue_dma source(%dma_start3A_84 : memref<1280xf32, #tpu.memory_space<vmem_shared>>) target(%arg13 : memref<1280xf32, #tpu.memory_space<vmem>>) target_semaphore(%arg17 : memref<!tpu.dma_semaphore, #tpu.memory_space<semaphore_mem>>)
      %mul3A_85 = arith.constant 1280 : i32
      %mul3A_86 = arith.muli %arg1, %mul3A_85 : i32
      %dma_start3A_87 = tpu.memref_slice %arg16[%mul3A_86] : memref<20480xf32, #tpu.memory_space<vmem_shared>> -> memref<1280xf32, #tpu.memory_space<vmem_shared>>
      %dma_start3A_88 = tpu.memref_slice %arg16[%mul3A_86] : memref<20480xf32, #tpu.memory_space<vmem_shared>> -> memref<1280xf32, #tpu.memory_space<vmem_shared>>
      tpu.enqueue_dma source(%dma_start3A_88 : memref<1280xf32, #tpu.memory_space<vmem_shared>>) target(%arg14 : memref<1280xf32, #tpu.memory_space<vmem>>) target_semaphore(%arg17 : memref<!tpu.dma_semaphore, #tpu.memory_space<semaphore_mem>>)
      %dma_wait3A_89 = tpu.memref_slice %arg15[%mul3A_82] : memref<20480xf32, #tpu.memory_space<vmem_shared>> -> memref<1280xf32, #tpu.memory_space<vmem_shared>>
      %dma_wait3A_90 = tpu.memref_slice %arg15[%mul3A_82] : memref<20480xf32, #tpu.memory_space<vmem_shared>> -> memref<1280xf32, #tpu.memory_space<vmem_shared>>
      tpu.wait_dma2 semaphore(%arg17 : memref<!tpu.dma_semaphore, #tpu.memory_space<semaphore_mem>>) src(%dma_wait3A_90 : memref<1280xf32, #tpu.memory_space<vmem_shared>>) dst(%arg13 : memref<1280xf32, #tpu.memory_space<vmem>>)
      %dma_wait3A_91 = tpu.memref_slice %arg16[%mul3A_86] : memref<20480xf32, #tpu.memory_space<vmem_shared>> -> memref<1280xf32, #tpu.memory_space<vmem_shared>>
      %dma_wait3A_92 = tpu.memref_slice %arg16[%mul3A_86] : memref<20480xf32, #tpu.memory_space<vmem_shared>> -> memref<1280xf32, #tpu.memory_space<vmem_shared>>
      tpu.wait_dma2 semaphore(%arg17 : memref<!tpu.dma_semaphore, #tpu.memory_space<semaphore_mem>>) src(%dma_wait3A_92 : memref<1280xf32, #tpu.memory_space<vmem_shared>>) dst(%arg14 : memref<1280xf32, #tpu.memory_space<vmem>>)
      %scan3A_93 = arith.constant 0 : i32
      %scan3A_94 = arith.constant 0 : i32
      %scan3A_95 = arith.constant 80 : i32
      %scan3A_96 = arith.addi %scan3A_94, %scan3A_95 : i32
      %scan3A_97 = arith.constant 1 : i32
      scf.for %scan3A_121 = %scan3A_94 to %scan3A_96 step %scan3A_97  : i32 {
        %mul3A_122 = arith.constant 16 : i32
        %mul3A_123 = arith.muli %scan3A_121, %mul3A_122 : i32
        %get3A = arith.index_cast %mul3A_123 : i32 to index
        %get3A_124 = tpu.vector_load %arg13[%get3A] {strides = array<i32>} : memref<1280xf32, #tpu.memory_space<vmem>>, vector<16xf32>,
        %get3A_125 = vector.shape_cast %get3A_124 : vector<16xf32> to vector<16xf32>
        %get3A_126 = arith.index_cast %mul3A_123 : i32 to index
        %get3A_127 = tpu.vector_load %arg14[%get3A_126] {strides = array<i32>} : memref<1280xf32, #tpu.memory_space<vmem>>, vector<16xf32>,
        %get3A_128 = vector.shape_cast %get3A_127 : vector<16xf32> to vector<16xf32>
        %max3A = arith.constant 1.000000e+00 : f32
        %max3A_129 = vector.broadcast %max3A : f32 to vector<16xf32>
        %max3A_130 = arith.maximumf %get3A_128, %max3A_129 : vector<16xf32>
        %div3A = arith.divf %get3A_125, %max3A_130 : vector<16xf32>
        %swap3A = arith.index_cast %mul3A_123 : i32 to index
        %swap3A_131 = tpu.vector_load %arg13[%swap3A] {strides = array<i32>} : memref<1280xf32, #tpu.memory_space<vmem>>, vector<16xf32>,
        %swap3A_132 = vector.shape_cast %swap3A_131 : vector<16xf32> to vector<16xf32>
        %swap3A_133 = vector.shape_cast %div3A : vector<16xf32> to vector<16xf32>
        tpu.vector_store %arg13[%swap3A], %swap3A_133 {strides = array<i32>} : memref<1280xf32, #tpu.memory_space<vmem>>, vector<16xf32>,
      }
      %scan3A_98 = arith.constant 80 : i32
      %mul3A_99 = arith.constant 1280 : i32
      %mul3A_100 = arith.muli %arg1, %mul3A_99 : i32
      "tpu.region"() ({
        %run_scoped3A = tpu.sem_alloc : memref<!tpu.dma_semaphore, #tpu.memory_space<semaphore_mem>>
        %dma_start3A_121 = tpu.memref_slice %arg15[%mul3A_100] : memref<20480xf32, #tpu.memory_space<vmem_shared>> -> memref<1280xf32, #tpu.memory_space<vmem_shared>>
        %dma_start3A_122 = tpu.memref_slice %arg15[%mul3A_100] : memref<20480xf32, #tpu.memory_space<vmem_shared>> -> memref<1280xf32, #tpu.memory_space<vmem_shared>>
        tpu.enqueue_dma source(%arg13 : memref<1280xf32, #tpu.memory_space<vmem>>) target(%dma_start3A_122 : memref<1280xf32, #tpu.memory_space<vmem_shared>>) target_semaphore(%run_scoped3A : memref<!tpu.dma_semaphore, #tpu.memory_space<semaphore_mem>>)
        %dma_wait3A_123 = tpu.memref_slice %arg15[%mul3A_100] : memref<20480xf32, #tpu.memory_space<vmem_shared>> -> memref<1280xf32, #tpu.memory_space<vmem_shared>>
        %dma_wait3A_124 = tpu.memref_slice %arg15[%mul3A_100] : memref<20480xf32, #tpu.memory_space<vmem_shared>> -> memref<1280xf32, #tpu.memory_space<vmem_shared>>
        tpu.wait_dma2 semaphore(%run_scoped3A : memref<!tpu.dma_semaphore, #tpu.memory_space<semaphore_mem>>) src(%arg13 : memref<1280xf32, #tpu.memory_space<vmem>>) dst(%dma_wait3A_124 : memref<1280xf32, #tpu.memory_space<vmem_shared>>)
        tpu.yield
      }) : () -> ()
      %barrier3A_101 = arith.constant 0 : index
      tpu.barrier barrier_id(%barrier3A_101)
      %scan3A_102 = arith.constant 0 : i32
      %scan3A_103 = arith.constant 0 : i32
      %scan3A_104 = arith.constant 49 : i32
      %scan3A_105 = arith.addi %scan3A_103, %scan3A_104 : i32
      %scan3A_106 = arith.constant 1 : i32
      scf.for %scan3A_121 = %scan3A_103 to %scan3A_105 step %scan3A_106  : i32 {
        %dma_start3A_122 = arith.constant 0 : i32
        %dma_start3A_123 = tpu.memref_slice %arg10[%scan3A_121, %dma_start3A_122] : memref<49x128xf32, #tpu.memory_space<vmem>> -> memref<1x128xf32, #tpu.memory_space<vmem>>
        %dma_start3A_124 = tpu.memref_squeeze %dma_start3A_123 : memref<1x128xf32, #tpu.memory_space<vmem>> -> memref<128xf32, #tpu.memory_space<vmem>>
        %dma_start3A_125 = arith.constant 0 : i32
        %dma_start3A_126 = tpu.memref_slice %arg7[%scan3A_121, %dma_start3A_125] : memref<49x128xi32, #tpu.memory_space<vmem>> -> memref<1x128xi32, #tpu.memory_space<vmem>>
        %dma_start3A_127 = tpu.memref_squeeze %dma_start3A_126 : memref<1x128xi32, #tpu.memory_space<vmem>> -> memref<128xi32, #tpu.memory_space<vmem>>
        %dma_start3A_128 = arith.constant 0 : i32
        %dma_start3A_129 = tpu.memref_slice %arg15[%dma_start3A_128] : memref<20480xf32, #tpu.memory_space<vmem_shared>> -> memref<20480xf32, #tpu.memory_space<vmem_shared>>
        tpu.enqueue_indirect_dma source(%dma_start3A_129 : memref<20480xf32, #tpu.memory_space<vmem_shared>>) target(%dma_start3A_124 : memref<128xf32, #tpu.memory_space<vmem>>) offsets(%dma_start3A_127 : memref<128xi32, #tpu.memory_space<vmem>>) semaphore(%arg17 : memref<!tpu.dma_semaphore, #tpu.memory_space<semaphore_mem>>)
      }
      %scan3A_107 = arith.constant 49 : i32
      %scan3A_108 = arith.constant 0 : i32
      %scan3A_109 = arith.constant 0 : i32
      %scan3A_110 = arith.constant 49 : i32
      %scan3A_111 = arith.addi %scan3A_109, %scan3A_110 : i32
      %scan3A_112 = arith.constant 1 : i32
      scf.for %scan3A_121 = %scan3A_109 to %scan3A_111 step %scan3A_112  : i32 {
        %dma_wait3A_122 = arith.constant 0 : i32
        %dma_wait3A_123 = tpu.memref_slice %arg10[%scan3A_121, %dma_wait3A_122] : memref<49x128xf32, #tpu.memory_space<vmem>> -> memref<1x128xf32, #tpu.memory_space<vmem>>
        %dma_wait3A_124 = tpu.memref_squeeze %dma_wait3A_123 : memref<1x128xf32, #tpu.memory_space<vmem>> -> memref<128xf32, #tpu.memory_space<vmem>>
        %dma_wait3A_125 = arith.constant 0 : i32
        %dma_wait3A_126 = tpu.memref_slice %arg7[%scan3A_121, %dma_wait3A_125] : memref<49x128xi32, #tpu.memory_space<vmem>> -> memref<1x128xi32, #tpu.memory_space<vmem>>
        %dma_wait3A_127 = tpu.memref_squeeze %dma_wait3A_126 : memref<1x128xi32, #tpu.memory_space<vmem>> -> memref<128xi32, #tpu.memory_space<vmem>>
        %dma_wait3A_128 = arith.constant 0 : i32
        %dma_wait3A_129 = tpu.memref_slice %arg15[%dma_wait3A_128] : memref<20480xf32, #tpu.memory_space<vmem_shared>> -> memref<20480xf32, #tpu.memory_space<vmem_shared>>
        tpu.wait_indirect_dma semaphore(%arg17 : memref<!tpu.dma_semaphore, #tpu.memory_space<semaphore_mem>>) src(%dma_wait3A_129 : memref<20480xf32, #tpu.memory_space<vmem_shared>>) dst(%dma_wait3A_124 : memref<128xf32, #tpu.memory_space<vmem>>)
      }
      %scan3A_113 = arith.constant 49 : i32
      %scan3A_114 = arith.constant 0 : i32
      %scan3A_115 = arith.constant 0 : i32
      %scan3A_116 = arith.constant 49 : i32
      %scan3A_117 = arith.addi %scan3A_115, %scan3A_116 : i32
      %scan3A_118 = arith.constant 1 : i32
      scf.for %scan3A_121 = %scan3A_115 to %scan3A_117 step %scan3A_118  : i32 {
        %get3A = arith.index_cast %scan3A_121 : i32 to index
        %get3A_122 = arith.constant 0 : index
        %get3A_123 = tpu.vector_load %arg11[%get3A, %get3A_122] {strides = array<i32>} : memref<49x128xf32, #tpu.memory_space<vmem>>, vector<1x16xf32>,
        %get3A_124 = vector.shape_cast %get3A_123 : vector<1x16xf32> to vector<16xf32>
        %get3A_125 = arith.index_cast %scan3A_121 : i32 to index
        %get3A_126 = arith.constant 0 : index
        %get3A_127 = tpu.vector_load %arg10[%get3A_125, %get3A_126] {strides = array<i32>} : memref<49x128xf32, #tpu.memory_space<vmem>>, vector<1x16xf32>,
        %get3A_128 = vector.shape_cast %get3A_127 : vector<1x16xf32> to vector<16xf32>
        %add3A_129 = arith.addf %get3A_124, %get3A_128 : vector<16xf32>
        %swap3A = arith.index_cast %scan3A_121 : i32 to index
        %swap3A_130 = arith.constant 0 : index
        %swap3A_131 = tpu.vector_load %arg11[%swap3A, %swap3A_130] {strides = array<i32>} : memref<49x128xf32, #tpu.memory_space<vmem>>, vector<1x16xf32>,
        %swap3A_132 = vector.shape_cast %swap3A_131 : vector<1x16xf32> to vector<16xf32>
        %swap3A_133 = vector.shape_cast %add3A_129 : vector<16xf32> to vector<1x16xf32>
        tpu.vector_store %arg11[%swap3A, %swap3A_130], %swap3A_133 {strides = array<i32>} : memref<49x128xf32, #tpu.memory_space<vmem>>, vector<1x16xf32>,
        %get3A_134 = arith.index_cast %scan3A_121 : i32 to index
        %get3A_135 = arith.constant 16 : index
        %get3A_136 = tpu.vector_load %arg11[%get3A_134, %get3A_135] {strides = array<i32>} : memref<49x128xf32, #tpu.memory_space<vmem>>, vector<1x16xf32>,
        %get3A_137 = vector.shape_cast %get3A_136 : vector<1x16xf32> to vector<16xf32>
        %get3A_138 = arith.index_cast %scan3A_121 : i32 to index
        %get3A_139 = arith.constant 16 : index
        %get3A_140 = tpu.vector_load %arg10[%get3A_138, %get3A_139] {strides = array<i32>} : memref<49x128xf32, #tpu.memory_space<vmem>>, vector<1x16xf32>,
        %get3A_141 = vector.shape_cast %get3A_140 : vector<1x16xf32> to vector<16xf32>
        %add3A_142 = arith.addf %get3A_137, %get3A_141 : vector<16xf32>
        %swap3A_143 = arith.index_cast %scan3A_121 : i32 to index
        %swap3A_144 = arith.constant 16 : index
        %swap3A_145 = tpu.vector_load %arg11[%swap3A_143, %swap3A_144] {strides = array<i32>} : memref<49x128xf32, #tpu.memory_space<vmem>>, vector<1x16xf32>,
        %swap3A_146 = vector.shape_cast %swap3A_145 : vector<1x16xf32> to vector<16xf32>
        %swap3A_147 = vector.shape_cast %add3A_142 : vector<16xf32> to vector<1x16xf32>
        tpu.vector_store %arg11[%swap3A_143, %swap3A_144], %swap3A_147 {strides = array<i32>} : memref<49x128xf32, #tpu.memory_space<vmem>>, vector<1x16xf32>,
        %get3A_148 = arith.index_cast %scan3A_121 : i32 to index
        %get3A_149 = arith.constant 32 : index
        %get3A_150 = tpu.vector_load %arg11[%get3A_148, %get3A_149] {strides = array<i32>} : memref<49x128xf32, #tpu.memory_space<vmem>>, vector<1x16xf32>,
        %get3A_151 = vector.shape_cast %get3A_150 : vector<1x16xf32> to vector<16xf32>
        %get3A_152 = arith.index_cast %scan3A_121 : i32 to index
        %get3A_153 = arith.constant 32 : index
        %get3A_154 = tpu.vector_load %arg10[%get3A_152, %get3A_153] {strides = array<i32>} : memref<49x128xf32, #tpu.memory_space<vmem>>, vector<1x16xf32>,
        %get3A_155 = vector.shape_cast %get3A_154 : vector<1x16xf32> to vector<16xf32>
        %add3A_156 = arith.addf %get3A_151, %get3A_155 : vector<16xf32>
        %swap3A_157 = arith.index_cast %scan3A_121 : i32 to index
        %swap3A_158 = arith.constant 32 : index
        %swap3A_159 = tpu.vector_load %arg11[%swap3A_157, %swap3A_158] {strides = array<i32>} : memref<49x128xf32, #tpu.memory_space<vmem>>, vector<1x16xf32>,
        %swap3A_160 = vector.shape_cast %swap3A_159 : vector<1x16xf32> to vector<16xf32>
        %swap3A_161 = vector.shape_cast %add3A_156 : vector<16xf32> to vector<1x16xf32>
        tpu.vector_store %arg11[%swap3A_157, %swap3A_158], %swap3A_161 {strides = array<i32>} : memref<49x128xf32, #tpu.memory_space<vmem>>, vector<1x16xf32>,
        %get3A_162 = arith.index_cast %scan3A_121 : i32 to index
        %get3A_163 = arith.constant 48 : index
        %get3A_164 = tpu.vector_load %arg11[%get3A_162, %get3A_163] {strides = array<i32>} : memref<49x128xf32, #tpu.memory_space<vmem>>, vector<1x16xf32>,
        %get3A_165 = vector.shape_cast %get3A_164 : vector<1x16xf32> to vector<16xf32>
        %get3A_166 = arith.index_cast %scan3A_121 : i32 to index
        %get3A_167 = arith.constant 48 : index
        %get3A_168 = tpu.vector_load %arg10[%get3A_166, %get3A_167] {strides = array<i32>} : memref<49x128xf32, #tpu.memory_space<vmem>>, vector<1x16xf32>,
        %get3A_169 = vector.shape_cast %get3A_168 : vector<1x16xf32> to vector<16xf32>
        %add3A_170 = arith.addf %get3A_165, %get3A_169 : vector<16xf32>
        %swap3A_171 = arith.index_cast %scan3A_121 : i32 to index
        %swap3A_172 = arith.constant 48 : index
        %swap3A_173 = tpu.vector_load %arg11[%swap3A_171, %swap3A_172] {strides = array<i32>} : memref<49x128xf32, #tpu.memory_space<vmem>>, vector<1x16xf32>,
        %swap3A_174 = vector.shape_cast %swap3A_173 : vector<1x16xf32> to vector<16xf32>
        %swap3A_175 = vector.shape_cast %add3A_170 : vector<16xf32> to vector<1x16xf32>
        tpu.vector_store %arg11[%swap3A_171, %swap3A_172], %swap3A_175 {strides = array<i32>} : memref<49x128xf32, #tpu.memory_space<vmem>>, vector<1x16xf32>,
        %get3A_176 = arith.index_cast %scan3A_121 : i32 to index
        %get3A_177 = arith.constant 64 : index
        %get3A_178 = tpu.vector_load %arg11[%get3A_176, %get3A_177] {strides = array<i32>} : memref<49x128xf32, #tpu.memory_space<vmem>>, vector<1x16xf32>,
        %get3A_179 = vector.shape_cast %get3A_178 : vector<1x16xf32> to vector<16xf32>
        %get3A_180 = arith.index_cast %scan3A_121 : i32 to index
        %get3A_181 = arith.constant 64 : index
        %get3A_182 = tpu.vector_load %arg10[%get3A_180, %get3A_181] {strides = array<i32>} : memref<49x128xf32, #tpu.memory_space<vmem>>, vector<1x16xf32>,
        %get3A_183 = vector.shape_cast %get3A_182 : vector<1x16xf32> to vector<16xf32>
        %add3A_184 = arith.addf %get3A_179, %get3A_183 : vector<16xf32>
        %swap3A_185 = arith.index_cast %scan3A_121 : i32 to index
        %swap3A_186 = arith.constant 64 : index
        %swap3A_187 = tpu.vector_load %arg11[%swap3A_185, %swap3A_186] {strides = array<i32>} : memref<49x128xf32, #tpu.memory_space<vmem>>, vector<1x16xf32>,
        %swap3A_188 = vector.shape_cast %swap3A_187 : vector<1x16xf32> to vector<16xf32>
        %swap3A_189 = vector.shape_cast %add3A_184 : vector<16xf32> to vector<1x16xf32>
        tpu.vector_store %arg11[%swap3A_185, %swap3A_186], %swap3A_189 {strides = array<i32>} : memref<49x128xf32, #tpu.memory_space<vmem>>, vector<1x16xf32>,
        %get3A_190 = arith.index_cast %scan3A_121 : i32 to index
        %get3A_191 = arith.constant 80 : index
        %get3A_192 = tpu.vector_load %arg11[%get3A_190, %get3A_191] {strides = array<i32>} : memref<49x128xf32, #tpu.memory_space<vmem>>, vector<1x16xf32>,
        %get3A_193 = vector.shape_cast %get3A_192 : vector<1x16xf32> to vector<16xf32>
        %get3A_194 = arith.index_cast %scan3A_121 : i32 to index
        %get3A_195 = arith.constant 80 : index
        %get3A_196 = tpu.vector_load %arg10[%get3A_194, %get3A_195] {strides = array<i32>} : memref<49x128xf32, #tpu.memory_space<vmem>>, vector<1x16xf32>,
        %get3A_197 = vector.shape_cast %get3A_196 : vector<1x16xf32> to vector<16xf32>
        %add3A_198 = arith.addf %get3A_193, %get3A_197 : vector<16xf32>
        %swap3A_199 = arith.index_cast %scan3A_121 : i32 to index
        %swap3A_200 = arith.constant 80 : index
        %swap3A_201 = tpu.vector_load %arg11[%swap3A_199, %swap3A_200] {strides = array<i32>} : memref<49x128xf32, #tpu.memory_space<vmem>>, vector<1x16xf32>,
        %swap3A_202 = vector.shape_cast %swap3A_201 : vector<1x16xf32> to vector<16xf32>
        %swap3A_203 = vector.shape_cast %add3A_198 : vector<16xf32> to vector<1x16xf32>
        tpu.vector_store %arg11[%swap3A_199, %swap3A_200], %swap3A_203 {strides = array<i32>} : memref<49x128xf32, #tpu.memory_space<vmem>>, vector<1x16xf32>,
        %get3A_204 = arith.index_cast %scan3A_121 : i32 to index
        %get3A_205 = arith.constant 96 : index
        %get3A_206 = tpu.vector_load %arg11[%get3A_204, %get3A_205] {strides = array<i32>} : memref<49x128xf32, #tpu.memory_space<vmem>>, vector<1x16xf32>,
        %get3A_207 = vector.shape_cast %get3A_206 : vector<1x16xf32> to vector<16xf32>
        %get3A_208 = arith.index_cast %scan3A_121 : i32 to index
        %get3A_209 = arith.constant 96 : index
        %get3A_210 = tpu.vector_load %arg10[%get3A_208, %get3A_209] {strides = array<i32>} : memref<49x128xf32, #tpu.memory_space<vmem>>, vector<1x16xf32>,
        %get3A_211 = vector.shape_cast %get3A_210 : vector<1x16xf32> to vector<16xf32>
        %add3A_212 = arith.addf %get3A_207, %get3A_211 : vector<16xf32>
        %swap3A_213 = arith.index_cast %scan3A_121 : i32 to index
        %swap3A_214 = arith.constant 96 : index
        %swap3A_215 = tpu.vector_load %arg11[%swap3A_213, %swap3A_214] {strides = array<i32>} : memref<49x128xf32, #tpu.memory_space<vmem>>, vector<1x16xf32>,
        %swap3A_216 = vector.shape_cast %swap3A_215 : vector<1x16xf32> to vector<16xf32>
        %swap3A_217 = vector.shape_cast %add3A_212 : vector<16xf32> to vector<1x16xf32>
        tpu.vector_store %arg11[%swap3A_213, %swap3A_214], %swap3A_217 {strides = array<i32>} : memref<49x128xf32, #tpu.memory_space<vmem>>, vector<1x16xf32>,
        %get3A_218 = arith.index_cast %scan3A_121 : i32 to index
        %get3A_219 = arith.constant 112 : index
        %get3A_220 = tpu.vector_load %arg11[%get3A_218, %get3A_219] {strides = array<i32>} : memref<49x128xf32, #tpu.memory_space<vmem>>, vector<1x16xf32>,
        %get3A_221 = vector.shape_cast %get3A_220 : vector<1x16xf32> to vector<16xf32>
        %get3A_222 = arith.index_cast %scan3A_121 : i32 to index
        %get3A_223 = arith.constant 112 : index
        %get3A_224 = tpu.vector_load %arg10[%get3A_222, %get3A_223] {strides = array<i32>} : memref<49x128xf32, #tpu.memory_space<vmem>>, vector<1x16xf32>,
        %get3A_225 = vector.shape_cast %get3A_224 : vector<1x16xf32> to vector<16xf32>
        %add3A_226 = arith.addf %get3A_221, %get3A_225 : vector<16xf32>
        %swap3A_227 = arith.index_cast %scan3A_121 : i32 to index
        %swap3A_228 = arith.constant 112 : index
        %swap3A_229 = tpu.vector_load %arg11[%swap3A_227, %swap3A_228] {strides = array<i32>} : memref<49x128xf32, #tpu.memory_space<vmem>>, vector<1x16xf32>,
        %swap3A_230 = vector.shape_cast %swap3A_229 : vector<1x16xf32> to vector<16xf32>
        %swap3A_231 = vector.shape_cast %add3A_226 : vector<16xf32> to vector<1x16xf32>
        tpu.vector_store %arg11[%swap3A_227, %swap3A_228], %swap3A_231 {strides = array<i32>} : memref<49x128xf32, #tpu.memory_space<vmem>>, vector<1x16xf32>,
      }
      %scan3A_119 = arith.constant 49 : i32
      %barrier3A_120 = arith.constant 0 : index
      tpu.barrier barrier_id(%barrier3A_120)
    }
    %scan3A_46 = arith.constant 3 : i32
    %eq3A = arith.constant 0 : i32
    %eq3A_47 = arith.cmpi eq, %arg0, %eq3A : i32
    %convert_element_type3A = arith.extui %eq3A_47 : i1 to i32
    %cond3A = arith.constant 0 : i32
    %cond3A_48 = arith.cmpi ne, %convert_element_type3A, %cond3A : i32
    scf.if %cond3A_48 {
      "tpu.region"() ({
        %run_scoped3A = tpu.sem_alloc : memref<!tpu.dma_semaphore, #tpu.memory_space<semaphore_mem>>
        %dma_start3A_54 = arith.constant 0 : i32
        %dma_start3A_55 = arith.constant 0 : i32
        %dma_start3A_56 = tpu.memref_slice %arg5[%arg1, %dma_start3A_54, %dma_start3A_55] : memref<16x49x128xf32, #tpu.memory_space<hbm>> -> memref<1x49x128xf32, #tpu.memory_space<hbm>>
        %dma_start3A_57 = tpu.memref_squeeze %dma_start3A_56 : memref<1x49x128xf32, #tpu.memory_space<hbm>> -> memref<49x128xf32, #tpu.memory_space<hbm>>
        %dma_start3A_58 = arith.constant 0 : i32
        %dma_start3A_59 = arith.constant 0 : i32
        %dma_start3A_60 = tpu.memref_slice %arg5[%arg1, %dma_start3A_58, %dma_start3A_59] : memref<16x49x128xf32, #tpu.memory_space<hbm>> -> memref<1x49x128xf32, #tpu.memory_space<hbm>>
        %dma_start3A_61 = tpu.memref_squeeze %dma_start3A_60 : memref<1x49x128xf32, #tpu.memory_space<hbm>> -> memref<49x128xf32, #tpu.memory_space<hbm>>
        tpu.enqueue_dma source(%arg11 : memref<49x128xf32, #tpu.memory_space<vmem>>) target(%dma_start3A_61 : memref<49x128xf32, #tpu.memory_space<hbm>>) target_semaphore(%run_scoped3A : memref<!tpu.dma_semaphore, #tpu.memory_space<semaphore_mem>>)
        %dma_wait3A_62 = arith.constant 0 : i32
        %dma_wait3A_63 = arith.constant 0 : i32
        %dma_wait3A_64 = tpu.memref_slice %arg5[%arg1, %dma_wait3A_62, %dma_wait3A_63] : memref<16x49x128xf32, #tpu.memory_space<hbm>> -> memref<1x49x128xf32, #tpu.memory_space<hbm>>
        %dma_wait3A_65 = tpu.memref_squeeze %dma_wait3A_64 : memref<1x49x128xf32, #tpu.memory_space<hbm>> -> memref<49x128xf32, #tpu.memory_space<hbm>>
        %dma_wait3A_66 = arith.constant 0 : i32
        %dma_wait3A_67 = arith.constant 0 : i32
        %dma_wait3A_68 = tpu.memref_slice %arg5[%arg1, %dma_wait3A_66, %dma_wait3A_67] : memref<16x49x128xf32, #tpu.memory_space<hbm>> -> memref<1x49x128xf32, #tpu.memory_space<hbm>>
        %dma_wait3A_69 = tpu.memref_squeeze %dma_wait3A_68 : memref<1x49x128xf32, #tpu.memory_space<hbm>> -> memref<49x128xf32, #tpu.memory_space<hbm>>
        tpu.wait_dma2 semaphore(%run_scoped3A : memref<!tpu.dma_semaphore, #tpu.memory_space<semaphore_mem>>) src(%arg11 : memref<49x128xf32, #tpu.memory_space<vmem>>) dst(%dma_wait3A_69 : memref<49x128xf32, #tpu.memory_space<hbm>>)
        tpu.yield
      }) : () -> ()
    } else {
    }
    %eq3A_49 = arith.constant 1 : i32
    %eq3A_50 = arith.cmpi eq, %arg0, %eq3A_49 : i32
    %convert_element_type3A_51 = arith.extui %eq3A_50 : i1 to i32
    %cond3A_52 = arith.constant 0 : i32
    %cond3A_53 = arith.cmpi ne, %convert_element_type3A_51, %cond3A_52 : i32
    scf.if %cond3A_53 {
      "tpu.region"() ({
        %run_scoped3A = tpu.sem_alloc : memref<!tpu.dma_semaphore, #tpu.memory_space<semaphore_mem>>
        %dma_start3A_54 = arith.constant 0 : i32
        %dma_start3A_55 = arith.constant 0 : i32
        %dma_start3A_56 = tpu.memref_slice %arg6[%arg1, %dma_start3A_54, %dma_start3A_55] : memref<16x49x128xf32, #tpu.memory_space<hbm>> -> memref<1x49x128xf32, #tpu.memory_space<hbm>>
        %dma_start3A_57 = tpu.memref_squeeze %dma_start3A_56 : memref<1x49x128xf32, #tpu.memory_space<hbm>> -> memref<49x128xf32, #tpu.memory_space<hbm>>
        %dma_start3A_58 = arith.constant 0 : i32
        %dma_start3A_59 = arith.constant 0 : i32
        %dma_start3A_60 = tpu.memref_slice %arg6[%arg1, %dma_start3A_58, %dma_start3A_59] : memref<16x49x128xf32, #tpu.memory_space<hbm>> -> memref<1x49x128xf32, #tpu.memory_space<hbm>>
        %dma_start3A_61 = tpu.memref_squeeze %dma_start3A_60 : memref<1x49x128xf32, #tpu.memory_space<hbm>> -> memref<49x128xf32, #tpu.memory_space<hbm>>
        tpu.enqueue_dma source(%arg11 : memref<49x128xf32, #tpu.memory_space<vmem>>) target(%dma_start3A_61 : memref<49x128xf32, #tpu.memory_space<hbm>>) target_semaphore(%run_scoped3A : memref<!tpu.dma_semaphore, #tpu.memory_space<semaphore_mem>>)
        %dma_wait3A_62 = arith.constant 0 : i32
        %dma_wait3A_63 = arith.constant 0 : i32
        %dma_wait3A_64 = tpu.memref_slice %arg6[%arg1, %dma_wait3A_62, %dma_wait3A_63] : memref<16x49x128xf32, #tpu.memory_space<hbm>> -> memref<1x49x128xf32, #tpu.memory_space<hbm>>
        %dma_wait3A_65 = tpu.memref_squeeze %dma_wait3A_64 : memref<1x49x128xf32, #tpu.memory_space<hbm>> -> memref<49x128xf32, #tpu.memory_space<hbm>>
        %dma_wait3A_66 = arith.constant 0 : i32
        %dma_wait3A_67 = arith.constant 0 : i32
        %dma_wait3A_68 = tpu.memref_slice %arg6[%arg1, %dma_wait3A_66, %dma_wait3A_67] : memref<16x49x128xf32, #tpu.memory_space<hbm>> -> memref<1x49x128xf32, #tpu.memory_space<hbm>>
        %dma_wait3A_69 = tpu.memref_squeeze %dma_wait3A_68 : memref<1x49x128xf32, #tpu.memory_space<hbm>> -> memref<49x128xf32, #tpu.memory_space<hbm>>
        tpu.wait_dma2 semaphore(%run_scoped3A : memref<!tpu.dma_semaphore, #tpu.memory_space<semaphore_mem>>) src(%arg11 : memref<49x128xf32, #tpu.memory_space<vmem>>) dst(%dma_wait3A_69 : memref<49x128xf32, #tpu.memory_space<hbm>>)
        tpu.yield
      }) : () -> ()
    } else {
    }
    return
  }
}

module attributes {stable_mosaic.version = 14 : i64} {
  func.func @_trans_body(%arg0: memref<1x1xf32, #tpu.memory_space<smem>>, %arg1: memref<16x49x128xf32, #tpu.memory_space<vmem>>, %arg2: memref<16x49x128xf32, #tpu.memory_space<vmem>>, %arg3: memref<16x49x128xf32, #tpu.memory_space<vmem>>, %arg4: memref<16x49x128xf32, #tpu.memory_space<vmem>>) attributes {dimension_semantics = [], scalar_prefetch = 0 : i64, scratch_operands = 0 : i64, tpu.core_type = #tpu.core_type<tc>} {
    %get3A = arith.constant 0 : index
    %get3A_0 = arith.constant 0 : index
    %get3A_1 = memref.load %arg0[%get3A, %get3A_0] : memref<1x1xf32, #tpu.memory_space<smem>>
    %get3A_2 = arith.constant 0 : index
    %get3A_3 = arith.constant 0 : index
    %get3A_4 = arith.constant 0 : index
    %get3A_5 = vector.load %arg1[%get3A_2, %get3A_3, %get3A_4] : memref<16x49x128xf32, #tpu.memory_space<vmem>>, vector<16x49x128xf32>
    %mul3A = arith.constant 1.000000e+01 : f32
    %mul3A_6 = vector.broadcast %mul3A : f32 to vector<16x49x128xf32>
    %mul3A_7 = arith.mulf %get3A_5, %mul3A_6 : vector<16x49x128xf32>
    %sub3A = vector.broadcast %get3A_1 : f32 to vector<16x49x128xf32>
    %sub3A_8 = arith.subf %sub3A, %mul3A_7 : vector<16x49x128xf32>
    %sub3A_9 = arith.constant 1.000000e+00 : f32
    %sub3A_10 = vector.broadcast %sub3A_9 : f32 to vector<16x49x128xf32>
    %sub3A_11 = arith.subf %sub3A_8, %sub3A_10 : vector<16x49x128xf32>
    %max3A = arith.constant 0.000000e+00 : f32
    %max3A_12 = vector.broadcast %max3A : f32 to vector<16x49x128xf32>
    %max3A_13 = arith.maximumf %sub3A_11, %max3A_12 : vector<16x49x128xf32>
    %get3A_14 = arith.constant 0 : index
    %get3A_15 = arith.constant 0 : index
    %get3A_16 = arith.constant 0 : index
    %get3A_17 = vector.load %arg3[%get3A_14, %get3A_15, %get3A_16] : memref<16x49x128xf32, #tpu.memory_space<vmem>>, vector<16x49x128xf32>
    %get3A_18 = arith.constant 0 : index
    %get3A_19 = arith.constant 0 : index
    %get3A_20 = arith.constant 0 : index
    %get3A_21 = vector.load %arg2[%get3A_18, %get3A_19, %get3A_20] : memref<16x49x128xf32, #tpu.memory_space<vmem>>, vector<16x49x128xf32>
    %mul3A_22 = arith.mulf %get3A_17, %get3A_21 : vector<16x49x128xf32>
    %mul3A_23 = arith.mulf %max3A_13, %max3A_13 : vector<16x49x128xf32>
    %mul3A_24 = arith.mulf %mul3A_22, %mul3A_23 : vector<16x49x128xf32>
    %mul3A_25 = arith.constant -5.000000e-01 : f32
    %mul3A_26 = vector.broadcast %mul3A_25 : f32 to vector<16x49x128xf32>
    %mul3A_27 = arith.mulf %mul3A_26, %max3A_13 : vector<16x49x128xf32>
    %exp3A = math.exp %mul3A_27 : vector<16x49x128xf32>
    %mul3A_28 = arith.mulf %mul3A_24, %exp3A : vector<16x49x128xf32>
    %swap3A = arith.constant 0 : index
    %swap3A_29 = arith.constant 0 : index
    %swap3A_30 = arith.constant 0 : index
    %swap3A_31 = vector.load %arg4[%swap3A, %swap3A_29, %swap3A_30] : memref<16x49x128xf32, #tpu.memory_space<vmem>>, vector<16x49x128xf32>
    tpu.vector_store %arg4[%swap3A, %swap3A_29, %swap3A_30], %mul3A_28 {strides = array<i32>} : memref<16x49x128xf32, #tpu.memory_space<vmem>>, vector<16x49x128xf32>,
    return
  }
}

module attributes {stable_mosaic.version = 14 : i64} {
  func.func @_finish_body(%arg0: memref<16x49x128xf32, #tpu.memory_space<vmem>>, %arg1: memref<16x49x128xf32, #tpu.memory_space<vmem>>, %arg2: memref<16x49x128xf32, #tpu.memory_space<vmem>>, %arg3: memref<16x49x128xf32, #tpu.memory_space<vmem>>, %arg4: memref<16x49x128xf32, #tpu.memory_space<vmem>>, %arg5: memref<16x49x128xf32, #tpu.memory_space<vmem>>, %arg6: memref<16x49x128xf32, #tpu.memory_space<vmem>>, %arg7: memref<6x16x49x128xf32, #tpu.memory_space<vmem>>) attributes {dimension_semantics = [], scalar_prefetch = 0 : i64, scratch_operands = 0 : i64, tpu.core_type = #tpu.core_type<tc>} {
    %get3A = arith.constant 0 : index
    %get3A_0 = arith.constant 0 : index
    %get3A_1 = arith.constant 0 : index
    %get3A_2 = vector.load %arg0[%get3A, %get3A_0, %get3A_1] : memref<16x49x128xf32, #tpu.memory_space<vmem>>, vector<16x49x128xf32>
    %get3A_3 = arith.constant 0 : index
    %get3A_4 = arith.constant 0 : index
    %get3A_5 = arith.constant 0 : index
    %get3A_6 = vector.load %arg4[%get3A_3, %get3A_4, %get3A_5] : memref<16x49x128xf32, #tpu.memory_space<vmem>>, vector<16x49x128xf32>
    %get3A_7 = arith.constant 0 : index
    %get3A_8 = arith.constant 0 : index
    %get3A_9 = arith.constant 0 : index
    %get3A_10 = vector.load %arg3[%get3A_7, %get3A_8, %get3A_9] : memref<16x49x128xf32, #tpu.memory_space<vmem>>, vector<16x49x128xf32>
    %get3A_11 = arith.constant 0 : index
    %get3A_12 = arith.constant 0 : index
    %get3A_13 = arith.constant 0 : index
    %get3A_14 = vector.load %arg1[%get3A_11, %get3A_12, %get3A_13] : memref<16x49x128xf32, #tpu.memory_space<vmem>>, vector<16x49x128xf32>
    %get3A_15 = arith.constant 0 : index
    %get3A_16 = arith.constant 0 : index
    %get3A_17 = arith.constant 0 : index
    %get3A_18 = vector.load %arg2[%get3A_15, %get3A_16, %get3A_17] : memref<16x49x128xf32, #tpu.memory_space<vmem>>, vector<16x49x128xf32>
    %add3A = arith.addf %get3A_14, %get3A_18 : vector<16x49x128xf32>
    %mul3A = arith.mulf %get3A_10, %add3A : vector<16x49x128xf32>
    %neg3A = arith.constant 0.000000e+00 : f32
    %neg3A_19 = vector.broadcast %neg3A : f32 to vector<16x49x128xf32>
    %neg3A_20 = arith.subf %neg3A_19, %mul3A : vector<16x49x128xf32>
    %exp3A = math.exp %neg3A_20 : vector<16x49x128xf32>
    %add3A_21 = arith.constant 1.000000e-10 : f32
    %add3A_22 = vector.broadcast %add3A_21 : f32 to vector<16x49x128xf32>
    %add3A_23 = arith.addf %exp3A, %add3A_22 : vector<16x49x128xf32>
    %log3A = math.log %add3A_23 : vector<16x49x128xf32>
    %sub3A = arith.constant 1.000000e+00 : f32
    %sub3A_24 = vector.broadcast %sub3A : f32 to vector<16x49x128xf32>
    %sub3A_25 = arith.subf %sub3A_24, %exp3A : vector<16x49x128xf32>
    %add3A_26 = arith.constant 1.000000e-10 : f32
    %add3A_27 = vector.broadcast %add3A_26 : f32 to vector<16x49x128xf32>
    %add3A_28 = arith.addf %sub3A_25, %add3A_27 : vector<16x49x128xf32>
    %log3A_29 = math.log %add3A_28 : vector<16x49x128xf32>
    %get3A_30 = arith.constant 0 : index
    %get3A_31 = arith.constant 0 : index
    %get3A_32 = arith.constant 0 : index
    %get3A_33 = vector.load %arg5[%get3A_30, %get3A_31, %get3A_32] : memref<16x49x128xf32, #tpu.memory_space<vmem>>, vector<16x49x128xf32>
    %add3A_34 = arith.constant 1.000000e-10 : f32
    %add3A_35 = vector.broadcast %add3A_34 : f32 to vector<16x49x128xf32>
    %add3A_36 = arith.addf %get3A_33, %add3A_35 : vector<16x49x128xf32>
    %log3A_37 = math.log %add3A_36 : vector<16x49x128xf32>
    %neg3A_38 = arith.constant 0.000000e+00 : f32
    %neg3A_39 = vector.broadcast %neg3A_38 : f32 to vector<16x49x128xf32>
    %neg3A_40 = arith.subf %neg3A_39, %log3A_37 : vector<16x49x128xf32>
    %add3A_41 = arith.constant 1.000000e-10 : f32
    %add3A_42 = vector.broadcast %add3A_41 : f32 to vector<16x49x128xf32>
    %add3A_43 = arith.addf %neg3A_40, %add3A_42 : vector<16x49x128xf32>
    %log3A_44 = math.log %add3A_43 : vector<16x49x128xf32>
    %neg3A_45 = arith.constant 0.000000e+00 : f32
    %neg3A_46 = vector.broadcast %neg3A_45 : f32 to vector<16x49x128xf32>
    %neg3A_47 = arith.subf %neg3A_46, %log3A_44 : vector<16x49x128xf32>
    %get3A_48 = arith.constant 0 : index
    %get3A_49 = arith.constant 0 : index
    %get3A_50 = arith.constant 0 : index
    %get3A_51 = vector.load %arg6[%get3A_48, %get3A_49, %get3A_50] : memref<16x49x128xf32, #tpu.memory_space<vmem>>, vector<16x49x128xf32>
    %add3A_52 = arith.constant 1.000000e-10 : f32
    %add3A_53 = vector.broadcast %add3A_52 : f32 to vector<16x49x128xf32>
    %add3A_54 = arith.addf %get3A_51, %add3A_53 : vector<16x49x128xf32>
    %log3A_55 = math.log %add3A_54 : vector<16x49x128xf32>
    %neg3A_56 = arith.constant 0.000000e+00 : f32
    %neg3A_57 = vector.broadcast %neg3A_56 : f32 to vector<16x49x128xf32>
    %neg3A_58 = arith.subf %neg3A_57, %log3A_55 : vector<16x49x128xf32>
    %add3A_59 = arith.constant 1.000000e-10 : f32
    %add3A_60 = vector.broadcast %add3A_59 : f32 to vector<16x49x128xf32>
    %add3A_61 = arith.addf %neg3A_58, %add3A_60 : vector<16x49x128xf32>
    %log3A_62 = math.log %add3A_61 : vector<16x49x128xf32>
    %neg3A_63 = arith.constant 0.000000e+00 : f32
    %neg3A_64 = vector.broadcast %neg3A_63 : f32 to vector<16x49x128xf32>
    %neg3A_65 = arith.subf %neg3A_64, %log3A_62 : vector<16x49x128xf32>
    %sub3A_66 = arith.subf %log3A_29, %log3A : vector<16x49x128xf32>
    %add3A_67 = arith.addf %sub3A_66, %neg3A_65 : vector<16x49x128xf32>
    %sub3A_68 = arith.subf %add3A_67, %neg3A_47 : vector<16x49x128xf32>
    %mul3A_69 = arith.constant 1.000000e+01 : f32
    %mul3A_70 = vector.broadcast %mul3A_69 : f32 to vector<16x49x128xf32>
    %mul3A_71 = arith.mulf %sub3A_68, %mul3A_70 : vector<16x49x128xf32>
    %neg3A_72 = arith.constant 0.000000e+00 : f32
    %neg3A_73 = vector.broadcast %neg3A_72 : f32 to vector<16x49x128xf32>
    %neg3A_74 = arith.subf %neg3A_73, %mul3A_71 : vector<16x49x128xf32>
    %exp3A_75 = math.exp %neg3A_74 : vector<16x49x128xf32>
    %add3A_76 = arith.constant 1.000000e+00 : f32
    %add3A_77 = vector.broadcast %add3A_76 : f32 to vector<16x49x128xf32>
    %add3A_78 = arith.addf %add3A_77, %exp3A_75 : vector<16x49x128xf32>
    %div3A = arith.constant 1.000000e+00 : f32
    %div3A_79 = vector.broadcast %div3A : f32 to vector<16x49x128xf32>
    %div3A_80 = arith.divf %div3A_79, %add3A_78 : vector<16x49x128xf32>
    %sub3A_81 = arith.constant 1.000000e+00 : f32
    %sub3A_82 = vector.broadcast %sub3A_81 : f32 to vector<16x49x128xf32>
    %sub3A_83 = arith.subf %sub3A_82, %get3A_6 : vector<16x49x128xf32>
    %mul3A_84 = arith.mulf %div3A_80, %sub3A_83 : vector<16x49x128xf32>
    %swap3A = arith.constant 0 : index
    %swap3A_85 = arith.constant 0 : index
    %swap3A_86 = arith.constant 0 : index
    %swap3A_87 = arith.constant 0 : index
    %swap3A_88 = vector.load %arg7[%swap3A, %swap3A_85, %swap3A_86, %swap3A_87] : memref<6x16x49x128xf32, #tpu.memory_space<vmem>>, vector<1x16x49x128xf32>
    %swap3A_89 = vector.shape_cast %swap3A_88 : vector<1x16x49x128xf32> to vector<16x49x128xf32>
    %swap3A_90 = vector.shape_cast %get3A_2 : vector<16x49x128xf32> to vector<1x16x49x128xf32>
    tpu.vector_store %arg7[%swap3A, %swap3A_85, %swap3A_86, %swap3A_87], %swap3A_90 {strides = array<i32>} : memref<6x16x49x128xf32, #tpu.memory_space<vmem>>, vector<1x16x49x128xf32>,
    %swap3A_91 = arith.constant 1 : index
    %swap3A_92 = arith.constant 0 : index
    %swap3A_93 = arith.constant 0 : index
    %swap3A_94 = arith.constant 0 : index
    %swap3A_95 = vector.load %arg7[%swap3A_91, %swap3A_92, %swap3A_93, %swap3A_94] : memref<6x16x49x128xf32, #tpu.memory_space<vmem>>, vector<1x16x49x128xf32>
    %swap3A_96 = vector.shape_cast %swap3A_95 : vector<1x16x49x128xf32> to vector<16x49x128xf32>
    %swap3A_97 = vector.shape_cast %exp3A : vector<16x49x128xf32> to vector<1x16x49x128xf32>
    tpu.vector_store %arg7[%swap3A_91, %swap3A_92, %swap3A_93, %swap3A_94], %swap3A_97 {strides = array<i32>} : memref<6x16x49x128xf32, #tpu.memory_space<vmem>>, vector<1x16x49x128xf32>,
    %swap3A_98 = arith.constant 2 : index
    %swap3A_99 = arith.constant 0 : index
    %swap3A_100 = arith.constant 0 : index
    %swap3A_101 = arith.constant 0 : index
    %swap3A_102 = vector.load %arg7[%swap3A_98, %swap3A_99, %swap3A_100, %swap3A_101] : memref<6x16x49x128xf32, #tpu.memory_space<vmem>>, vector<1x16x49x128xf32>
    %swap3A_103 = vector.shape_cast %swap3A_102 : vector<1x16x49x128xf32> to vector<16x49x128xf32>
    %swap3A_104 = vector.shape_cast %mul3A_84 : vector<16x49x128xf32> to vector<1x16x49x128xf32>
    tpu.vector_store %arg7[%swap3A_98, %swap3A_99, %swap3A_100, %swap3A_101], %swap3A_104 {strides = array<i32>} : memref<6x16x49x128xf32, #tpu.memory_space<vmem>>, vector<1x16x49x128xf32>,
    %sub3A_105 = arith.subf %get3A_10, %mul3A_84 : vector<16x49x128xf32>
    %max3A = arith.constant 0.000000e+00 : f32
    %max3A_106 = vector.broadcast %max3A : f32 to vector<16x49x128xf32>
    %max3A_107 = arith.maximumf %max3A_106, %sub3A_105 : vector<16x49x128xf32>
    %swap3A_108 = arith.constant 3 : index
    %swap3A_109 = arith.constant 0 : index
    %swap3A_110 = arith.constant 0 : index
    %swap3A_111 = arith.constant 0 : index
    %swap3A_112 = vector.load %arg7[%swap3A_108, %swap3A_109, %swap3A_110, %swap3A_111] : memref<6x16x49x128xf32, #tpu.memory_space<vmem>>, vector<1x16x49x128xf32>
    %swap3A_113 = vector.shape_cast %swap3A_112 : vector<1x16x49x128xf32> to vector<16x49x128xf32>
    %swap3A_114 = vector.shape_cast %max3A_107 : vector<16x49x128xf32> to vector<1x16x49x128xf32>
    tpu.vector_store %arg7[%swap3A_108, %swap3A_109, %swap3A_110, %swap3A_111], %swap3A_114 {strides = array<i32>} : memref<6x16x49x128xf32, #tpu.memory_space<vmem>>, vector<1x16x49x128xf32>,
    %add3A_115 = arith.addf %get3A_6, %mul3A_84 : vector<16x49x128xf32>
    %swap3A_116 = arith.constant 4 : index
    %swap3A_117 = arith.constant 0 : index
    %swap3A_118 = arith.constant 0 : index
    %swap3A_119 = arith.constant 0 : index
    %swap3A_120 = vector.load %arg7[%swap3A_116, %swap3A_117, %swap3A_118, %swap3A_119] : memref<6x16x49x128xf32, #tpu.memory_space<vmem>>, vector<1x16x49x128xf32>
    %swap3A_121 = vector.shape_cast %swap3A_120 : vector<1x16x49x128xf32> to vector<16x49x128xf32>
    %swap3A_122 = vector.shape_cast %add3A_115 : vector<16x49x128xf32> to vector<1x16x49x128xf32>
    tpu.vector_store %arg7[%swap3A_116, %swap3A_117, %swap3A_118, %swap3A_119], %swap3A_122 {strides = array<i32>} : memref<6x16x49x128xf32, #tpu.memory_space<vmem>>, vector<1x16x49x128xf32>,
    %sub3A_123 = arith.constant 1.000000e+00 : f32
    %sub3A_124 = vector.broadcast %sub3A_123 : f32 to vector<16x49x128xf32>
    %sub3A_125 = arith.subf %get3A_2, %sub3A_124 : vector<16x49x128xf32>
    %neg3A_126 = arith.constant 0.000000e+00 : f32
    %neg3A_127 = vector.broadcast %neg3A_126 : f32 to vector<16x49x128xf32>
    %neg3A_128 = arith.subf %neg3A_127, %sub3A_125 : vector<16x49x128xf32>
    %exp3A_129 = math.exp %neg3A_128 : vector<16x49x128xf32>
    %add3A_130 = arith.constant 1.000000e+00 : f32
    %add3A_131 = vector.broadcast %add3A_130 : f32 to vector<16x49x128xf32>
    %add3A_132 = arith.addf %add3A_131, %exp3A_129 : vector<16x49x128xf32>
    %div3A_133 = arith.constant 1.000000e+00 : f32
    %div3A_134 = vector.broadcast %div3A_133 : f32 to vector<16x49x128xf32>
    %div3A_135 = arith.divf %div3A_134, %add3A_132 : vector<16x49x128xf32>
    %mul3A_136 = arith.mulf %add3A_115, %div3A_135 : vector<16x49x128xf32>
    %swap3A_137 = arith.constant 5 : index
    %swap3A_138 = arith.constant 0 : index
    %swap3A_139 = arith.constant 0 : index
    %swap3A_140 = arith.constant 0 : index
    %swap3A_141 = vector.load %arg7[%swap3A_137, %swap3A_138, %swap3A_139, %swap3A_140] : memref<6x16x49x128xf32, #tpu.memory_space<vmem>>, vector<1x16x49x128xf32>
    %swap3A_142 = vector.shape_cast %swap3A_141 : vector<1x16x49x128xf32> to vector<16x49x128xf32>
    %swap3A_143 = vector.shape_cast %mul3A_136 : vector<16x49x128xf32> to vector<1x16x49x128xf32>
    tpu.vector_store %arg7[%swap3A_137, %swap3A_138, %swap3A_139, %swap3A_140], %swap3A_143 {strides = array<i32>} : memref<6x16x49x128xf32, #tpu.memory_space<vmem>>, vector<1x16x49x128xf32>,
    return
  }
}

</mosaic_0001>

<sc_bundles>
// kernel: kernel.5.cloned.1.call-start
scs
__scs_entry_jumppad:
0x0: {  	(pc) =	sbr.rel $0x88, $3  }
0x1: {  	(tag) =	ssettag $0x0;
	lr =	simm.s32 $0x1  }
0x2: {  	[smem:$0x3F96] =	sst lr;
	_ =	strace $0xD0000000  }
0x3: {  	_ = 	snop  }
0x4: {  	_ = 	snop  }
0x5: {  	_ = 	snop  }
0x6: {  	_ = 	snop  }
0x7: {  	_ = 	snop  }
__scs_overlays_trampoline_lowered:
0x8: {  	[smem:$0x3FA5] =	sst s0  }
0x9: {  	[smem:$0x3FA6] =	sst s1  }
0xa: {  	[smem:$0x3FA7] =	sst s2  }
0xb: {  	[smem:$0x3FA8] =	sst s3  }
0xc: {  	[smem:$0x3FA9] =	sst s4  }
0xd: {  	[smem:$0x3FAA] =	sst s5  }
0xe: {  	[smem:$0x3FAB] =	sst s6  }
0xf: {  	[smem:$0x3FAC] =	sst s7  }
0x10: {  	[smem:$0x3FAD] =	sst s8  }
0x11: {  	[smem:$0x3FAE] =	sst s9;
	s0 =	simm.s32 @!p0 $0x0  }
0x12: {  	s1 =	sld [smem:$0x3F94];
	s0 =	simm.s32 @p0 $0x1  }
0x13: {  	[smem:$0x3FAF] =	sst s0;
	s0 =	simm.s32 @!p1 $0x0  }
0x14: {  	s2 =	sld [smem:$0x3F93];
	s0 =	simm.s32 @p1 $0x1  }
0x15: {  	[smem:$0x3FB0] =	sst s0;
	s0 =	simm.s32 @!p2 $0x0  }
0x16: {  	s3 =	sld [smem:$0x3FDB];
	s0 =	simm.s32 @p2 $0x1  }
0x17: {  	s4 =	simm.s32 $0x1BF5;
	[smem:$0x3FB2] =	sst s0  }
0x18: {  	s0 =	sld [smem:$0x3F95];
	_ =	swait.ge [sflag:s4], $0x0  }
0x19: {  	s7 =	sld [smem:$0x3F96]  }
0x1a: {  	s8 =	sadd.s32 $0xFFFFE003, lr  }
0x1b: {  	s9 =	sadd.s32 $0xFFFFFEF7, lr;
	s5 =	simm.s32 $0xFFFFFFFF;
	p2 =	slt.u32 s8, $0xFFFFF086  }
0x1c: {  	p1 =	slt.u32 s9, $0xF7A;
	s5 =	simm.s32 @!p2 $0x0  }
0x1d: {  	s5 =	simm.s32 @p1 $0x1;
	p0 =	seq.s32 s7, s2  }
0x1e: {  	s7 =	smul.u32 @!p0 $0xF7A, s2;
	p2 =	seq.s32 @!p0 s5, $0x0  }
0x1f: {  	s9 =	smul.u32 $0xF7A, s1;
	s8 =	simm.s32 @!p0 $0x1BF5;
	p2 =	por !p2, p0  }
0x20: {  	[sflag:s8] =	ssyncset.s32 @!p0 $0xFFFFF086;
	s6 =	sadd.s32 @!p0 s3, s7;
	s7 =	simm.s32 @!p0 $0x108  }
0x21: {  	s3 =	sadd.s32 s3, s9;
	s6 =	sadd.s32 @!p0 $0x88, s6;
	s7 =	simm.s32 @p2 $0x1082  }
0x22: {  	[simem:s7], [sflag:s8] =	dma.local @!p0 [hbm:s6], $0xF7A  }
0x23: {  	s9 =	sor.u32 $0xD0000000, s2;
	s6 =	simm.s32 $0x108;
	_ =	swait.ge @!p0 [sflag:s8], $0x0  }
0x24: {  	s3 =	sadd.s32 $0x88, s3;
	s6 =	simm.s32 @!p1 $0x1082;
	[sflag:s4] =	ssyncset.s32 $0xFFFFF086  }
0x25: {  	[simem:s6], [sflag:s4] =	dma.local [hbm:s3], $0xF7A  }
0x26: {  	[smem:$0x3F96] =	sst s1;
	(tag) =	ssettag s2;
	_ =	strace s9  }
0x27: {  	s1 =	sld [smem:$0x3FA6]  }
0x28: {  	s2 =	sld [smem:$0x3FA7]  }
0x29: {  	s4 =	sld [smem:$0x3FA9]  }
0x2a: {  	p0 =	seq.s32 s5, $0x0;
	s5 =	sld [smem:$0x3FAA]  }
0x2b: {  	s6 =	sld [smem:$0x3FAB]  }
0x2c: {  	s7 =	sld [smem:$0x3FAC]  }
0x2d: {  	s3 =	simm.s32 $0x108;
	s8 =	sld [smem:$0x3FAD]  }
0x2e: {  	s3 =	simm.s32 @!p0 $0x1082;
	s9 =	sld [smem:$0x3FAE]  }
0x2f: {  	lr =	sadd.s32 s0, s3;
	s0 =	sld [smem:$0x3FA5]  }
0x30: {  	s3 =	sld [smem:$0x3FA8]  }
0x31: {  	[smem:$0x3FB1] =	sst s10  }
0x32: {  	s10 =	sld [smem:$0x3FAF];
	_ =	sdelay $0x3  }
0x33: {  	p0 =	seq.s32 s10, $0x1;
	s10 =	sld [smem:$0x3FB1];
	_ =	sdelay $0x3  }
0x34: {  	[smem:$0x3FB1] =	sst s10  }
0x35: {  	s10 =	sld [smem:$0x3FB0];
	_ =	sdelay $0x3  }
0x36: {  	p1 =	seq.s32 s10, $0x1;
	s10 =	sld [smem:$0x3FB1];
	_ =	sdelay $0x3  }
0x37: {  	[smem:$0x3FB1] =	sst s10  }
0x38: {  	s10 =	sld [smem:$0x3FB2]  }
0x39: {  	_ = 	snop;
	(pc) =	sbr.ind lr, $3  }
0x3a: {  	_ = 	snop  }
0x3b: {  	_ = 	snop  }
0x3c: {  	p2 =	seq.s32 s10, $0x1;
	s10 =	sld [smem:$0x3FB1]  }
0x3d: {  	_ =	shalt  }
0x3e: {  	_ =	shalt  }
0x3f: {  	_ =	shalt  }
0x40: {  	_ =	shalt  }
0x41: {  	_ =	shalt  }
0x42: {  	_ =	shalt  }
0x43: {  	_ =	shalt  }
0x44: {  	_ =	shalt  }
0x45: {  	_ =	shalt  }
0x46: {  	_ =	shalt  }
0x47: {  	_ =	shalt  }
0x48: {  	_ =	shalt  }
0x49: {  	_ =	shalt  }
0x4a: {  	_ =	shalt  }
0x4b: {  	_ =	shalt  }
0x4c: {  	_ =	shalt  }
0x4d: {  	_ =	shalt  }
0x4e: {  	_ =	shalt  }
0x4f: {  	_ =	shalt  }
0x50: {  	_ =	shalt  }
0x51: {  	_ =	shalt  }
0x52: {  	_ =	shalt  }
0x53: {  	_ =	shalt  }
0x54: {  	_ =	shalt  }
0x55: {  	_ =	shalt  }
0x56: {  	_ =	shalt  }
0x57: {  	_ =	shalt  }
0x58: {  	_ =	shalt  }
0x59: {  	_ =	shalt  }
0x5a: {  	_ =	shalt  }
0x5b: {  	_ =	shalt  }
0x5c: {  	_ =	shalt  }
0x5d: {  	_ =	shalt  }
0x5e: {  	_ =	shalt  }
0x5f: {  	_ =	shalt  }
0x60: {  	_ =	shalt  }
0x61: {  	_ =	shalt  }
0x62: {  	_ =	shalt  }
0x63: {  	_ =	shalt  }
0x64: {  	_ =	shalt  }
0x65: {  	_ =	shalt  }
0x66: {  	_ =	shalt  }
0x67: {  	_ =	shalt  }
0x68: {  	_ =	shalt  }
0x69: {  	_ =	shalt  }
0x6a: {  	_ =	shalt  }
0x6b: {  	_ =	shalt  }
0x6c: {  	_ =	shalt  }
0x6d: {  	_ =	shalt  }
0x6e: {  	_ =	shalt  }
0x6f: {  	_ =	shalt  }
0x70: {  	_ =	shalt  }
0x71: {  	_ =	shalt  }
0x72: {  	_ =	shalt  }
0x73: {  	_ =	shalt  }
0x74: {  	_ =	shalt  }
0x75: {  	_ =	shalt  }
0x76: {  	_ =	shalt  }
0x77: {  	_ =	shalt  }
0x78: {  	_ =	shalt  }
0x79: {  	_ =	shalt  }
0x7a: {  	_ =	shalt  }
0x7b: {  	_ =	shalt  }
0x7c: {  	_ =	shalt  }
0x7d: {  	_ =	shalt  }
0x7e: {  	_ =	shalt  }
0x7f: {  	_ =	shalt  }
0x80: {  	_ =	shalt  }
0x81: {  	_ =	shalt  }
0x82: {  	_ =	shalt  }
0x83: {  	_ =	shalt  }
0x84: {  	_ =	shalt  }
0x85: {  	_ =	shalt  }
0x86: {  	_ =	shalt  }
0x87: {  	_ =	shalt  }
.Lfunc_end0:
.L_simem_size_0:
called_computation_lowered:
.L_overlay_start_0:
0x88: {  	s2 =	sld [smem:$0x3FD9]  }
0x89: {  	s3 =	sld [smem:$0x3FFE];
	_ =	sdelay $0x1  }
0x8a: {  	s1 =	srdreg.scid  }
0x8b: {  	s0 =	sand.u32 $0x1, s1  }
0x8c: {  	s17 =	sshll.u32 s0, $0xA;
	s2 =	sadd.s32 s3, s2  }
0x8d: {  	s2 =	sadd.s32 s2, s17  }
0x8e: {  	[smem:$0x3FBD] =	sst s2  }
0x8f: {  	_ = 	snop  }
0x90: {  	s2 =	sld [smem:$0x3FD0];
	(tm) =	ssettm $0x1  }
0x91: {  	s18 =	sld [smem:$0x3FFB];
	_ =	sdelay $0x3  }
0x92: {  	_ =	strace s18  }
0x93: {  	s3 =	sld [smem:$0x3FFC];
	_ =	sdelay $0x3  }
0x94: {  	_ =	strace s3  }
0x95: {  	s3 =	sld [smem:$0x3FFD];
	_ =	sdelay $0x3  }
0x96: {  	_ =	strace s3  }
0x97: {  	_ =	strace $0x8FFFFFFF  }
0x98: {  	s19 =	sld [smem:$0x3FDB];
	_ =	sdelay $0x1  }
0x99: {  	s4 =	simm.s32 $_scs_section_size  }
0x9a: {  	s5 =	simm.s32 $_size__tile_overlayer_lowered;
	s6 =	simm.s32 $_tile_overlayer_lowered  }
0x9b: {  	s22 =	simm.s32 $0x1BFF;
	s21 =	sshll.u32 s6, $0x1;
	s3 =	sadd.s32 s4, s19  }
0x9c: {  	s7 =	simm.s32 $0x0;
	s20 =	sshll.u32 s5, $0x1;
	s5 =	sadd.s32 s21, s3  }
0x9d: {  	[timem:s7], [sflag:s22] =	dma.local [hbm:s5], s20  }
0x9e: {  	_ =	swait.ge [sflag:s22], s20  }
0x9f: {  	s4 =	ssub.s32 $0x0, s20;
	[sflag:s22] =	ssyncset.done $0x0  }
0xa0: {  	[sflag:s22] =	ssyncadd.s32 s4;
	_ =	sdelay $0x1  }
0xa1: {  	s23 =	simm.s32 $0x1B8B  }
0xa2: {  	_ =	swait.ge [sflag:s23], $0x1  }
0xa3: {  	[sflag:s23] =	ssyncset.done $0x0  }
0xa4: {  	s25 =	simm.s32 $0x1B8E;
	s24 =	sld [smem:$0x3FFE];
	[sflag:s23] =	ssyncadd.s32 $0xFFFFFFFF  }
0xa5: {  	s26 =	simm.s32 $execute0_lowered;
	[smem:$0x3FD2] =	sst s25  }
0xa6: {  	s5 =	sshll.u32 s26, $0x1;
	_ =	strace $0x80000046;
	[dreg:$0x1] =	wrdreg $0xFFFFFFFF  }
0xa7: {  	s28 =	simm.s32 $_size_execute0_lowered;
	s3 =	sadd.s32 s3, s5;
	[dreg:$0x0] =	wrdreg $0x0  }
0xa8: {  	s5 =	sshll.u32 s28, $0x1;
	[dreg:$0x2] =	wrdreg s3  }
0xa9: {  	[dreg:$0x3] =	wrdreg s5  }
0xaa: {  	[dreg:$0x4] =	wrdreg $0xC0  }
0xab: {  	_ =	task [dreg:s7], $0x5FFFF  }
0xac: {  	[dreg:$0x1] =	wrdreg $0xFFFFFFFF  }
0xad: {  	[dreg:$0x0] =	wrdreg $0x60  }
0xae: {  	[dreg:$0x2] =	wrdreg s24  }
0xaf: {  	[dreg:$0x3] =	wrdreg s2  }
0xb0: {  	[dreg:$0x4] =	wrdreg $0x9B000  }
0xb1: {  	[dreg:$0x5] =	wrdreg $0xA0000  }
0xb2: {  	[dreg:$0x6] =	wrdreg $0x9  }
0xb3: {  	_ =	task.clear_ibuf [dreg:s7], $0x7FFFF;
	_ =	strace $0x90000046  }
0xb4: {  	s29 =	simm.s32 $0x9;
	_ =	strace $0x80000048  }
0xb5: {  	_ =	swait.ge [sflag:s29], $0x1  }
0xb6: {  	[sflag:s29] =	ssyncadd.s32 $0xFFFFFFFF  }
0xb7: {  	_ =	strace $0x90000048  }
0xb8: {  	_ =	sfence  }
0xb9: {  	s30 =	sld [smem:$0x0];
	_ =	sdelay $0x2  }
0xba: {  	s31 =	sshll.u32 s1, $0xD;
	s1 =	sshrl.u32 s1, $0x2  }
0xbb: {  	s3 =	sand.u32 $0x4000, s31;
	s1 =	sadd.s32 s1, s30  }
0xbc: {  	s0 =	sor.u32 s3, s0;
	s1 =	sshll.u32 s1, $0x11  }
0xbd: {  	s0 =	sor.u32 s1, s0  }
0xbe: {  	s0 =	sadd.s32 $0x8F2B, s0  }
0xbf: {  	[sflag:s0] =	ssyncadd.remote.s32 $0x1  }
0xc0: {  	_ =	sfence.sel $0xFFFF  }
0xc1: {  	[dreg:$0x0] =	wrdreg $0xFFFFFFFF;
	(pc) =	sbr.abs _section_cstart, $3  }
0xc2: {  	[dreg:$0x1] =	wrdreg $0xFFFFFFFF  }
0xc3: {  	_ =	task.clear_ibuf [dreg:s7], $0x2FFFF;
	_ =	strace $0x9FFFFFFF  }
0xc4: {  	(tm) =	ssettm $0x7FFFFFFF  }
0xc5: {  	_ =	shalt  }
tec
execute0_lowered:
.L_overlay_start_1:
0x0: {  	(tag) =	ssettag $0x1  }
0x1: {  	s7 =	rddreg [dreg:$0x0]  }
0x2: {  	s2 =	rddreg [dreg:$0x1]  }
0x3: {  	s3 =	rddreg [dreg:$0x2]  }
0x4: {  	s4 =	rddreg [dreg:$0x3]  }
0x5: {  	s0 =	rddreg [dreg:$0x4]  }
0x6: {  	s1 =	stileid.u32;
	s5 =	simm.s32 $0x0;
	s8 =	srdreg.scid  }
0x7: {  	s14 =	simm.s32 $0xC600;
	s15 =	simm.s32 $0x3800;
	s16 =	simm.s32 $0x1  }
0x8: {  	s17 =	simm.s32 $0x8C00;
	s18 =	simm.s32 $0x2;
	s19 =	simm.s32 $0x80  }
0x9: {  	s20 =	simm.s32 $0x9100;
	s21 =	simm.s32 $0x9600;
	s22 =	simm.s32 $0x7000  }
0xa: {  	s23 =	simm.s32 $0x0;
	s6 =	smul.u32 $0x1C00, s1;
	[smem:$0x7FF] =	sst s5  }
0xb: {  	s11 =	sand.u32 $0x1, s8;
	s10 =	smul.u32 $0x500, s1;
	_ =	strace $0x80000047  }
0xc: {  	s9 =	ssub.s32 $0x2, s11;
	p0 =	seq.s32 s11, $0x1;
	s11 =	smul.u32 $0x3, s11  }
0xd: {  	s30 =	sshrl.u32 s6, $0x3;
	s31 =	sshrl.u32 s9, $0x1;
	s14 =	simm.s32 @!p0 $0x8E00  }
0xe: {  	s13 =	sadd.s32 s30, s7;
	s12 =	ssub.s32 s9, s31;
	s9 =	sadd.s32 s10, s3  }
0xf: {  	s10 =	sadd.s32 s10, s4;
	s7 =	sadd.s32 $0x5600, s13;
	s8 =	sadd.s32 $0x1E00, s13  }
0x10: {  	v0 =	vimm.f32 $0.0e+00;
	s12 =	smax.u32 s12, $0x1;
	s13 =	sadd.s32 s14, s13;
	s14 =	simm.s32 $0x1C00  }
.LBB2_1:
0x11: {  	[tilespmem:s14], [sflag:$0x1] =	stream.linear.gather [hbm4b:s7+s5], $0x1880, $0x38;
	[tilespmem:$0xA500] =	vst v63  }
0x12: {  	_ = 	snop  }
0x13: {  	[tilespmem:s15], [sflag:$0x1] =	stream.linear.gather [hbm4b:s8+s5], $0x1880, $0x38;
	[tilespmem:$0xA500] =	vst v63  }
0x14: {  	_ =	swait.ge [sflag:s16], $0x1880  }
0x15: {  	[sflag:s16] =	ssyncset.done $0x0  }
0x16: {  	[sflag:s16] =	ssyncadd.s32 $0xFFFFE780  }
0x17: {  	_ =	swait.ge [sflag:s16], $0x1880  }
0x18: {  	[sflag:s16] =	ssyncset.done $0x0  }
0x19: {  	s24 =	simm.s32 $0x40;
	s25 =	simm.s32 $0x0;
	[sflag:s16] =	ssyncadd.s32 $0xFFFFE780  }
.LBB2_2:
0x1a: {  	p0 =	sne.s32 s24, $0x13C0;
	[tilespmem:s25+$0x8C00] =	vst v0;
	s25 =	smov.u32 s24;
	s24 =	sadd.s32 $0x40, s24  }
.Ltmp0:
0x1b: {  	(pc) =	sbr.rel @p0 .LBB2_2-.Ltmp0, $2  }
0x1c: {  	_ =	sdelay $0x2  }
0x1d: {  	s25 =	sshra.s32 s25, $0x2  }
0x1e: {  	[tilespmem:s25+$0x8C00] =	vst v0;
	s24 =	simm.s32 $0x0;
	s25 =	simm.s32 $0x0;
	s26 =	simm.s32 $0x200  }
.LBB2_4:
0x1f: {  	p0 =	sne.s32 s26, $0x6000;
	[tilespmem:s25+$0x7070] =	vst v0  }
0x20: {  	[tilespmem:s25+$0x7000] =	vst v0  }
0x21: {  	[tilespmem:s25+$0x7010] =	vst v0  }
.Ltmp1:
0x22: {  	[tilespmem:s25+$0x7020] =	vst v0;
	(pc) =	sbr.rel @p0 .LBB2_4-.Ltmp1, $4  }
0x23: {  	[tilespmem:s25+$0x7030] =	vst v0  }
0x24: {  	[tilespmem:s25+$0x7040] =	vst v0  }
0x25: {  	[tilespmem:s25+$0x7050] =	vst v0  }
0x26: {  	[tilespmem:s25+$0x7060] =	vst v0;
	s25 =	sshra.s32 s26, $0x2;
	s26 =	sadd.s32 $0x200, s26  }
0x27: {  	[tilespmem:s25+$0x7070] =	vst v0  }
0x28: {  	[tilespmem:s25+$0x7000] =	vst v0  }
0x29: {  	[tilespmem:s25+$0x7010] =	vst v0  }
0x2a: {  	[tilespmem:s25+$0x7020] =	vst v0  }
0x2b: {  	[tilespmem:s25+$0x7030] =	vst v0  }
0x2c: {  	[tilespmem:s25+$0x7040] =	vst v0  }
0x2d: {  	[tilespmem:s25+$0x7050] =	vst v0  }
0x2e: {  	[tilespmem:s25+$0x7060] =	vst v0  }
.LBB2_6:
0x2f: {  	[spmem:s9] =	stream.linear.scatter [tilespmem:s17], [sflag:$0x1], $0x500, $0x38;
	[tilespmem:$0xA500] =	vst v63  }
0x30: {  	_ = 	snop  }
0x31: {  	[spmem:s10] =	stream.linear.scatter [tilespmem:s17], [sflag:$0x1], $0x500, $0x38;
	[tilespmem:$0xA500] =	vst v63  }
0x32: {  	_ =	swait.ge [sflag:s16], $0x500  }
0x33: {  	s25 =	sadd.s32 s11, s24;
	[sflag:s16] =	ssyncset.done $0x0  }
0x34: {  	s25 =	smul.u32 $0x1C000, s25;
	[sflag:s16] =	ssyncadd.s32 $0xFFFFFB00  }
0x35: {  	_ =	swait.ge [sflag:s16], $0x500  }
0x36: {  	s25 =	sadd.s32 s6, s25;
	[sflag:s16] =	ssyncset.done $0x0  }
0x37: {  	s25 =	sshrl.u32 s25, $0x3;
	[sflag:s16] =	ssyncadd.s32 $0xFFFFFB00  }
0x38: {  	s26 =	simm.s32 $0x0;
	s25 =	sadd.s32 s2, s25;
	[bflag:$0x0] =	sbarrier.arrive $0xFFFF  }
0x39: {  	[tilespmem:s26], [sflag:$0x2] =	stream.linear.gather [hbm4b:s25+s26], $0x1880, $0x38;
	[tilespmem:$0xA500] =	vst v63  }
0x3a: {  	_ =	swait.ge [sflag:s18], $0x1880  }
0x3b: {  	s31 =	simm.s32 $0x1C00;
	s28 =	simm.s32 $0x3800;
	[sflag:s18] =	ssyncset.done $0x0  }
0x3c: {  	s26 =	simm.s32 $0x0;
	s25 =	simm.s32 $0x200;
	[sflag:s18] =	ssyncadd.s32 $0xFFFFE780  }
0x3d: {  	[spmem:s3] =	stream.indirect.scatter.add.f32 [tilespmem:s31], [sflag:$0x1], $0x1, s26, s19, $0xb8;
	[tilespmem:$0xA500] =	vst v63  }
.LBB2_7:
0x3e: {  	[spmem:s4] =	stream.indirect.scatter.add.f32 [tilespmem:s28], [sflag:$0x1], $0x1, s26, s19, $0xb8;
	[tilespmem:$0xA500] =	vst v63  }
0x3f: {  	s26 =	smov.u32 s25;
	p0 =	sne.s32 s25, $0x6000  }
.Ltmp2:
0x40: {  	s25 =	sadd.s32 $0x200, s25;
	(pc) =	sbr.rel @p0 .LBB2_7-.Ltmp2, $4  }
0x41: {  	s26 =	sshra.s32 s26, $0x2  }
0x42: {  	s28 =	sadd.s32 $0x1C00, s26  }
0x43: {  	[spmem:s3] =	stream.indirect.scatter.add.f32 [tilespmem:s28], [sflag:$0x1], $0x1, s26, s19, $0xb8;
	[tilespmem:$0xA500] =	vst v63  }
0x44: {  	s28 =	sadd.s32 $0x3800, s26  }
0x45: {  	[spmem:s4] =	stream.indirect.scatter.add.f32 [tilespmem:s28], [sflag:$0x1], $0x1, s26, s19, $0xb8;
	[tilespmem:$0xA500] =	vst v63  }
0x46: {  	_ =	swait.ge [sflag:s16], $0x80  }
0x47: {  	[sflag:s16] =	ssyncset.done $0x0  }
0x48: {  	[sflag:s16] =	ssyncadd.s32 $0xFFFFFF80  }
0x49: {  	_ =	swait.ge [sflag:s16], $0x80  }
0x4a: {  	s25 =	simm.s32 $0x30;
	[sflag:s16] =	ssyncset.done $0x0  }
.LBB2_9:
0x4b: {  	p0 =	sne.s32 s25, $0x1;
	s25 =	sadd.s32 $0xFFFFFFFF, s25;
	[sflag:s16] =	ssyncadd.s32 $0xFFFFFF80  }
.Ltmp3:
0x4c: {  	_ =	swait.ge [sflag:s16], $0x80;
	(pc) =	sbr.rel @p0 .LBB2_9-.Ltmp3, $4  }
0x4d: {  	[sflag:s16] =	ssyncset.done $0x0  }
0x4e: {  	[sflag:s16] =	ssyncadd.s32 $0xFFFFFF80  }
0x4f: {  	_ =	swait.ge [sflag:s16], $0x80  }
0x50: {  	[sflag:s16] =	ssyncset.done $0x0  }
0x51: {  	[sflag:s16] =	ssyncadd.s32 $0xFFFFFF80  }
0x52: {  	[bflag:$0x0] =	sbarrier.arrive $0xFFFF  }
0x53: {  	[tilespmem:s20], [sflag:$0x1] =	stream.linear.gather [spmem:s9], $0x500, $0x38;
	[tilespmem:$0xA500] =	vst v63  }
0x54: {  	_ = 	snop  }
0x55: {  	[tilespmem:s21], [sflag:$0x1] =	stream.linear.gather [spmem:s10], $0x500, $0x38;
	[tilespmem:$0xA500] =	vst v63  }
0x56: {  	_ =	swait.ge [sflag:s16], $0x500  }
0x57: {  	[sflag:s16] =	ssyncset.done $0x0  }
0x58: {  	[sflag:s16] =	ssyncadd.s32 $0xFFFFFB00  }
0x59: {  	_ =	swait.ge [sflag:s16], $0x500  }
0x5a: {  	[sflag:s16] =	ssyncset.done $0x0  }
0x5b: {  	s26 =	simm.s32 $0x0;
	[sflag:s16] =	ssyncadd.s32 $0xFFFFFB00  }
0x5c: {  	v1 =	vld [tilespmem:s26+$0x9600];
	_ =	sdelay $0x4  }
0x5d: {  	s25 =	simm.s32 $0x10;
	v1 =	vmax.f32 v1, $1.000000000e+00  }
0x5e: {  	(erf) = vrcp.f32 v1;
	v1 =	vld [tilespmem:s25+$0x9600];
	_ =	sdelay $0x4  }
0x5f: {  	v2 =	vmax.f32 v1, $1.000000000e+00;
	v1 =	vld [tilespmem:s26+$0x9100];
	_ =	sdelay $0x2  }
0x60: {  	(erf) = vrcp.f32 v2  }
0x61: {  	s28 =	simm.s32 $0x20;
	s29 =	simm.s32 $0xC0;
	v2 =	vpop (erf)  }
.LBB2_11:
0x62: {  	p0 =	sne.s32 s29, $0x13C0;
	v3 =	vld [tilespmem:s28+$0x9600];
	v1 =	vmul.f32 v2, v1;
	_ =	sdelay $0x1  }
0x63: {  	[tilespmem:s26+$0x9100] =	vst v1;
	s26 =	smov.u32 s25;
	s25 =	smov.u32 s28  }
.Ltmp4:
0x64: {  	v1 =	vld [tilespmem:s26+$0x9100];
	(pc) =	sbr.rel @p0 .LBB2_11-.Ltmp4, $4  }
0x65: {  	_ = 	snop  }
0x66: {  	v3 =	vmax.f32 v3, $1.000000000e+00  }
0x67: {  	(erf) = vrcp.f32 v3  }
0x68: {  	s28 =	sshra.s32 s29, $0x2;
	s29 =	sadd.s32 $0x40, s29;
	v2 =	vpop (erf)  }
0x69: {  	v3 =	vld [tilespmem:s28+$0x9600]  }
0x6a: {  	v1 =	vmul.f32 v2, v1;
	_ =	sdelay $0x1  }
0x6b: {  	[tilespmem:s26+$0x9100] =	vst v1  }
0x6c: {  	v1 =	vld [tilespmem:s25+$0x9100]  }
0x6d: {  	v2 =	vmax.f32 v3, $1.000000000e+00;
	_ =	sdelay $0x1  }
0x6e: {  	(erf) = vrcp.f32 v2  }
0x6f: {  	v2 =	vpop (erf)  }
0x70: {  	v1 =	vmul.f32 v2, v1;
	_ =	sdelay $0x1  }
0x71: {  	[tilespmem:s25+$0x9100] =	vst v1  }
0x72: {  	v1 =	vld [tilespmem:s28+$0x9100];
	_ =	sdelay $0x3  }
0x73: {  	v2 =	vpop (erf)  }
0x74: {  	v1 =	vmul.f32 v2, v1;
	_ =	sdelay $0x1  }
0x75: {  	[tilespmem:s28+$0x9100] =	vst v1  }
0x76: {  	[spmem:s9] =	stream.linear.scatter [tilespmem:s20], [sflag:$0x2], $0x500, $0x38;
	[tilespmem:$0xA500] =	vst v63  }
0x77: {  	_ =	swait.ge [sflag:s18], $0x500  }
0x78: {  	[sflag:s18] =	ssyncset.done $0x0  }
0x79: {  	[sflag:s18] =	ssyncadd.s32 $0xFFFFFB00  }
0x7a: {  	s25 =	simm.s32 $0x0;
	[bflag:$0x0] =	sbarrier.arrive $0xFFFF  }
.LBB2_13:
0x7b: {  	p0 =	sne.s32 s25, $0x6000  }
.Ltmp5:
0x7c: {  	_ = 	snop;
	(pc) =	sbr.rel @p0 .LBB2_13-.Ltmp5, $4  }
0x7d: {  	_ = 	snop  }
0x7e: {  	s26 =	sshra.s32 s25, $0x2  }
0x7f: {  	s25 =	sadd.s32 $0x200, s25;
	s28 =	sadd.s32 $0x5400, s26  }
0x80: {  	[tilespmem:s28], [sflag:$0x1] =	stream.indirect.gather [spmem:s3], $0x1, s26, s19, $0xb8;
	[tilespmem:$0xA500] =	vst v63  }
0x81: {  	s25 =	simm.s32 $0x31  }
.LBB2_15:
0x82: {  	p0 =	sne.s32 s25, $0x1  }
.Ltmp6:
0x83: {  	_ = 	snop;
	(pc) =	sbr.rel @p0 .LBB2_15-.Ltmp6, $4  }
0x84: {  	_ = 	snop  }
0x85: {  	_ =	swait.ge [sflag:s16], $0x80  }
0x86: {  	[sflag:s16] =	ssyncset.done $0x0  }
0x87: {  	s25 =	sadd.s32 $0xFFFFFFFF, s25;
	[sflag:s16] =	ssyncadd.s32 $0xFFFFFF80  }
0x88: {  	s25 =	simm.s32 $0x0  }
0x89: {  	v8 =	vld [tilespmem:s25+$0x5400]  }
0x8a: {  	v12 =	vld [tilespmem:s25+$0x5410]  }
0x8b: {  	v6 =	vld [tilespmem:s25+$0x5420]  }
0x8c: {  	v5 =	vld [tilespmem:s25+$0x5430]  }
0x8d: {  	v4 =	vld [tilespmem:s25+$0x5440]  }
0x8e: {  	v3 =	vld [tilespmem:s25+$0x5450]  }
0x8f: {  	v2 =	vld [tilespmem:s25+$0x5460]  }
0x90: {  	v1 =	vld [tilespmem:s25+$0x5470]  }
0x91: {  	v13 =	vld [tilespmem:s25+$0x7000]  }
0x92: {  	v14 =	vld [tilespmem:s25+$0x7010]  }
0x93: {  	v11 =	vld [tilespmem:s25+$0x7020]  }
0x94: {  	v10 =	vld [tilespmem:s25+$0x7030]  }
0x95: {  	v9 =	vld [tilespmem:s25+$0x7040]  }
0x96: {  	v7 =	vld [tilespmem:s25+$0x7050];
	v13 =	vadd.f32 v8, v13  }
0x97: {  	s26 =	simm.s32 $0x200;
	v12 =	vadd.f32 v12, v14;
	v8 =	vld [tilespmem:s25+$0x7060]  }
.LBB2_17:
0x98: {  	s28 =	sshra.s32 s26, $0x2;
	p0 =	sne.s32 s26, $0x6000;
	[tilespmem:s25+$0x7000] =	vst v13;
	v6 =	vadd.f32 v6, v11;
	v11 =	vld [tilespmem:s25+$0x7070]  }
0x99: {  	v13 =	vld [tilespmem:s28+$0x5400];
	[tilespmem:s25+$0x7010] =	vst v12;
	v5 =	vadd.f32 v5, v10  }
0x9a: {  	v12 =	vld [tilespmem:s28+$0x5410];
	[tilespmem:s25+$0x7020] =	vst v6;
	v4 =	vadd.f32 v4, v9  }
0x9b: {  	v6 =	vld [tilespmem:s28+$0x5420];
	[tilespmem:s25+$0x7030] =	vst v5;
	v3 =	vadd.f32 v3, v7  }
0x9c: {  	v5 =	vld [tilespmem:s28+$0x5430];
	[tilespmem:s25+$0x7040] =	vst v4;
	v2 =	vadd.f32 v2, v8  }
0x9d: {  	v4 =	vld [tilespmem:s28+$0x5440];
	[tilespmem:s25+$0x7050] =	vst v3;
	v1 =	vadd.f32 v1, v11  }
0x9e: {  	v3 =	vld [tilespmem:s28+$0x5450];
	[tilespmem:s25+$0x7060] =	vst v2  }
0x9f: {  	v2 =	vld [tilespmem:s28+$0x5460];
	[tilespmem:s25+$0x7070] =	vst v1;
	s25 =	smov.u32 s28  }
0xa0: {  	v1 =	vld [tilespmem:s25+$0x5470]  }
0xa1: {  	v7 =	vld [tilespmem:s25+$0x7000]  }
0xa2: {  	v8 =	vld [tilespmem:s25+$0x7010]  }
.Ltmp7:
0xa3: {  	v11 =	vld [tilespmem:s25+$0x7020];
	(pc) =	sbr.rel @p0 .LBB2_17-.Ltmp7, $4  }
0xa4: {  	v10 =	vld [tilespmem:s25+$0x7030]  }
0xa5: {  	v9 =	vld [tilespmem:s25+$0x7040]  }
0xa6: {  	v13 =	vadd.f32 v13, v7;
	v7 =	vld [tilespmem:s25+$0x7050]  }
0xa7: {  	s26 =	sadd.s32 $0x200, s26;
	v12 =	vadd.f32 v12, v8;
	v8 =	vld [tilespmem:s25+$0x7060]  }
0xa8: {  	[tilespmem:s25+$0x7000] =	vst v13;
	v6 =	vadd.f32 v6, v11;
	v63 =	vld [tilespmem:s25+$0x7070]  }
0xa9: {  	[tilespmem:s25+$0x7010] =	vst v12;
	v5 =	vadd.f32 v5, v10  }
0xaa: {  	[tilespmem:s25+$0x7020] =	vst v6;
	v4 =	vadd.f32 v4, v9  }
0xab: {  	s24 =	sadd.s32 $0x1, s24;
	[tilespmem:s25+$0x7030] =	vst v5;
	v3 =	vadd.f32 v3, v7  }
0xac: {  	p0 =	sne.s32 s24, $0x3;
	[tilespmem:s25+$0x7040] =	vst v4;
	v2 =	vadd.f32 v2, v8  }
.Ltmp8:
0xad: {  	[tilespmem:s25+$0x7050] =	vst v3;
	v1 =	vadd.f32 v1, v63;
	(pc) =	sbr.rel @p0 .LBB2_6-.Ltmp8, $3  }
0xae: {  	[tilespmem:s25+$0x7060] =	vst v2  }
0xaf: {  	[tilespmem:s25+$0x7070] =	vst v1  }
0xb0: {  	[bflag:$0x0] =	sbarrier.arrive $0xFFFF;
	_ =	sdelay $0x1  }
0xb1: {  	s23 =	sadd.s32 $0x1, s23  }
0xb2: {  	p0 =	sne.s32 s23, s12  }
.Ltmp9:
0xb3: {  	_ = 	snop;
	(pc) =	sbr.rel @p0 .LBB2_1-.Ltmp9, $4  }
0xb4: {  	[hbm4b:s13+s5] =	stream.linear.scatter [tilespmem:s22], [sflag:$0x2], $0x1880, $0x38;
	[tilespmem:$0xA500] =	vst v63  }
0xb5: {  	_ =	swait.ge [sflag:s18], $0x1880  }
0xb6: {  	[sflag:s18] =	ssyncset.done $0x0  }
0xb7: {  	[sflag:s18] =	ssyncadd.s32 $0xFFFFE780  }
0xb8: {  	_ =	sfence.sel $0x180000  }
0xb9: {  	[bflag:$0x0] =	sbarrier.arrive $0xFFFF  }
0xba: {  	p0 =	sne.s32 s1, $0x0;
	_ =	strace $0x90000047  }
0xbb: {  	s0 =	sadd.s32 @!p0 $0x100000, s0;
	[bflag:$0x2] =	sbarrier.arrive $0xFFFF  }
0xbc: {  	[sflag:s0] =	ssyncadd.tile.s32 @!p0 $0x1;
	_ =	shalt  }
.Lfunc_end2:
_tile_overlayer_lowered:
.L_overlay_start_2:
0xbd: {  	(tag) =	ssettag $0x2  }
0xbe: {  	s0 =	rddreg [dreg:$0x0];
	s2 =	stileid.u32  }
0xbf: {  	s1 =	rddreg [dreg:$0x1];
	p0 =	sne.s32 s2, $0x0  }
0xc0: {  	s3 =	rddreg [dreg:$0x2];
	[bflag:$0x3] =	sbarrier.arrive $0xFFFF;
	s2 =	simm.s32 @!p0 $0x1C02  }
0xc1: {  	[timem:s3], [sflag:s2] =	dma.local @!p0 [hbm:s0], s1  }
0xc2: {  	s0 =	simm.s32 @!p0 $0x2  }
0xc3: {  	_ =	swait.ge @!p0 [sflag:s0], s1  }
0xc4: {  	s1 =	ssub.s32 @!p0 $0x0, s1;
	[sflag:s0] =	ssyncset.done @!p0 $0x0  }
0xc5: {  	[sflag:s0] =	ssyncadd.s32 @!p0 s1  }
0xc6: {  	[bflag:$0x3] =	sbarrier.arrive $0xFFFF  }
0xc7: {  	_ =	shalt  }

</sc_bundles>
